<compile_context>
chip_gen: v7x
topology: tpu7x:2x2x1
jax: 0.10.2.dev20260603
libtpu: 0.0.44.dev20260713+nightly
codegen_flags: <defaults>
</compile_context>

<pallas_src>
import functools

import jax
import jax.numpy as jnp
from jax import lax
from jax.experimental import pallas as pl
from jax.experimental.pallas import tpu as pltpu
from jax.experimental.pallas import tpu_sc as plsc


_B, _N = 16384, 128
_NV = _N // 16
_NW = 32
_RPW = _B // _NW
_CH = 256
_NCH = _RPW // _CH
_R = 256



def _vsort(p, desc):
    k, v = p
    ks, vs = plsc.sort_key_val(k, v)
    if desc:
        ks = lax.rev(ks, (0,))
        vs = lax.rev(vs, (0,))
    return ks, vs


def _cmpx(a, b, desc):
    (ka, va), (kb, vb) = a, b
    swap = (ka > kb) if not desc else (ka < kb)
    lo = (jnp.where(swap, kb, ka), jnp.where(swap, vb, va))
    hi = (jnp.where(swap, ka, kb), jnp.where(swap, va, vb))
    return lo, hi


def _bmerge(lst, desc):
    n = len(lst)
    if n == 1:
        return [_vsort(lst[0], desc)]
    h = n // 2
    lst = list(lst)
    for i in range(h):
        lst[i], lst[i + h] = _cmpx(lst[i], lst[i + h], desc)
    return _bmerge(lst[:h], desc) + _bmerge(lst[h:], desc)


def _bsort(lst, desc):
    n = len(lst)
    if n == 1:
        return [_vsort(lst[0], desc)]
    h = n // 2
    return _bmerge(_bsort(lst[:h], not desc) + _bsort(lst[h:], desc), desc)


def _row_body(r, carry, sv, dv):
    base = r * _N
    pairs = []
    for j in range(_NV):
        k = -sv[pl.ds(base + 16 * j, 16)]
        v = dv[pl.ds(base + 16 * j, 16)]
        pairs.append((k, v))
    srt = _bsort(pairs, False)
    for j in range(_NV):
        sv[pl.ds(base + 16 * j, 16)] = srt[j][0]
        dv[pl.ds(base + 16 * j, 16)] = srt[j][1]
    return carry


@functools.partial(
    pl.kernel,
    mesh=plsc.VectorSubcoreMesh(core_axis_name="c", subcore_axis_name="s"),
    out_type=(jax.ShapeDtypeStruct((_B * _N,), jnp.float32),
              jax.ShapeDtypeStruct((_B * _N,), jnp.float32)),
    scratch_types=[
        pltpu.VMEM((_CH * _N,), jnp.float32),
        pltpu.VMEM((_CH * _N,), jnp.float32),
    ],
    compiler_params=pltpu.CompilerParams(needs_layout_passes=False),
)
def _sc_sort(s_hbm, d_hbm, k_out, d_out, sv, dv):
    wid = lax.axis_index("s") * 2 + lax.axis_index("c")
    for ch in range(_NCH):
        rbase = wid * _RPW + ch * _CH
        pltpu.sync_copy(s_hbm.at[pl.ds(rbase * _N, _CH * _N)], sv)
        pltpu.sync_copy(d_hbm.at[pl.ds(rbase * _N, _CH * _N)], dv)
        body = functools.partial(_row_body, sv=sv, dv=dv)
        lax.fori_loop(0, _CH, body, jnp.int32(0))
        pltpu.sync_copy(sv, k_out.at[pl.ds(rbase * _N, _CH * _N)])
        pltpu.sync_copy(dv, d_out.at[pl.ds(rbase * _N, _CH * _N)])



def _tail_body(k_ref, d_ref, out_ref):
    k = k_ref[...]
    dd = d_ref[...]
    lane = jax.lax.broadcasted_iota(jnp.int32, (_R, _N), 1)

    tri_r = jax.lax.broadcasted_iota(jnp.int32, (_N, _N), 0)
    tri_c = jax.lax.broadcasted_iota(jnp.int32, (_N, _N), 1)
    tri = (tri_r <= tri_c).astype(jnp.bfloat16)
    c = jax.lax.dot_general(
        dd.astype(jnp.bfloat16), tri, (((1,), (0,)), ((), ())),
        preferred_element_type=jnp.float32)

    w = lane * 256 + c.astype(jnp.int32)
    for s in (1, 2, 4, 8, 16, 32, 64):
        rw = pltpu.roll(w, _N - s, axis=1)
        rk = pltpu.roll(k, _N - s, axis=1)
        cond = (rk == k) & (lane < (_N - s))
        w = jnp.where(cond, rw, w)

    inter = (w & 255).astype(jnp.float32)
    e = (w >> 8).astype(jnp.float32)
    ell = c[:, _N - 1:_N]
    union = e + 1.0 + ell - inter
    jac = inter / union

    maxv = jnp.max(jac, axis=1, keepdims=True)
    idx = jnp.min(jnp.where(jac >= maxv, lane, _N), axis=1)
    out = jnp.concatenate(
        [(idx + 1)[:, None], ell.astype(jnp.int32)], axis=1)
    out_ref[...] = out


@jax.jit
def kernel(scores, drugset_mul_hot):
    s_flat = scores.reshape(-1)
    d_flat = drugset_mul_hot.astype(jnp.float32).reshape(-1)
    k_srt, d_srt = _sc_sort(s_flat, d_flat)
    return pl.pallas_call(
        _tail_body,
        grid=(_B // _R,),
        in_specs=[
            pl.BlockSpec((_R, _N), lambda i: (i, 0)),
            pl.BlockSpec((_R, _N), lambda i: (i, 0)),
        ],
        out_specs=pl.BlockSpec((_R, 2), lambda i: (i, 0)),
        out_shape=jax.ShapeDtypeStruct((_B, 2), jnp.int32),
    )(k_srt.reshape(_B, _N), d_srt.reshape(_B, _N))

# --- scband reference (transcript-rebuilt; emitter-appended) ---
"""Pipeline reference for scband-drug-size-module-17669495456216 (READ-ONLY COPY).

The authoritative reference and input builder live on the scoring server;
editing this copy changes nothing except your own understanding.
"""

import jax, jax.numpy as jnp
import numpy as np

B, N = 16384, 128

def setup_inputs(seed: int = 0) -> dict:
    key = jax.random.key(seed)
    k1, k2 = jax.random.split(key)
    scores = jax.random.normal(k1, (B, N), dtype=jnp.float32)
    drugset_mul_hot = jax.random.randint(k2, (B, N), 0, 2).astype(jnp.bool_)
    return {"scores": scores, "drugset_mul_hot": drugset_mul_hot}

def reference(scores, drugset_mul_hot):
    # Faithful port of DrugSizeModule.best_len.
    # torch.topk(scores, k=i).values[:, -1] == i-th largest score per row,
    # obtained here from a single descending sort.
    n = scores.shape[-1]
    sorted_desc = -jnp.sort(-scores, axis=-1)
    d = drugset_mul_hot
    jacs = []
    for i in range(1, n + 1):
        thr = sorted_desc[:, i - 1].reshape(-1, 1)
        topi_mul = scores >= thr
        inter = (topi_mul & d).sum(axis=1).astype(jnp.float32)
        union = (topi_mul | d).sum(axis=1).astype(jnp.float32)
        jacs.append((inter / union).reshape(-1, 1))
    jacs = jnp.concatenate(jacs, axis=1)
    best_vals, best_idx = jax.lax.top_k(jacs, 1)
    best_lens = best_idx + 1
    ll = d.sum(axis=1).reshape(-1, 1).astype(best_lens.dtype)
    best_lens = jnp.concatenate([best_lens, ll], axis=1)
    return best_lens

if __name__ == "__main__":
    import jax
    _d = setup_inputs()
    print(jax.jit(kernel)(*tuple(_d.values())))

</pallas_src>

<mosaic_0001>
#map = affine_map<(d0, d1) -> (0)>
module attributes {stable_mosaic.version = 14 : i64} {
  func.func @_sc_sort(%arg0: i32, %arg1: i32, %arg2: memref<2097152xf32, #tpu.memory_space<hbm>>, %arg3: memref<2097152xf32, #tpu.memory_space<hbm>>, %arg4: memref<2097152xf32, #tpu.memory_space<hbm>>, %arg5: memref<2097152xf32, #tpu.memory_space<hbm>>, %arg6: memref<32768xf32, #tpu.memory_space<vmem>>, %arg7: memref<32768xf32, #tpu.memory_space<vmem>>) attributes {dimension_semantics = [#tpu.dimension_semantics<core_parallel>, #tpu.dimension_semantics<subcore_parallel>], iteration_bounds = array<i64: 2, 16>, scalar_prefetch = 0 : i64, scratch_operands = 2 : i64, tpu.core_type = #tpu.core_type<sc_vector_subcore>, window_params = [{transform_indices = #map}, {transform_indices = #map}, {transform_indices = #map}, {transform_indices = #map}]} {
    %mul3A = arith.constant 2 : i32
    %mul3A_0 = arith.muli %arg1, %mul3A : i32
    %add3A = arith.addi %mul3A_0, %arg0 : i32
    %mul3A_1 = arith.constant 512 : i32
    %mul3A_2 = arith.muli %add3A, %mul3A_1 : i32
    %add3A_3 = arith.constant 0 : i32
    %add3A_4 = arith.addi %mul3A_2, %add3A_3 : i32
    %mul3A_5 = arith.constant 128 : i32
    %mul3A_6 = arith.muli %add3A_4, %mul3A_5 : i32
    "tpu.region"() ({
      %run_scoped3A = tpu.sem_alloc : memref<!tpu.dma_semaphore, #tpu.memory_space<semaphore_mem>>
      %dma_start3A = tpu.memref_slice %arg2[%mul3A_6] : memref<2097152xf32, #tpu.memory_space<hbm>> -> memref<32768xf32, #tpu.memory_space<hbm>>
      %dma_start3A_36 = tpu.memref_slice %arg2[%mul3A_6] : memref<2097152xf32, #tpu.memory_space<hbm>> -> memref<32768xf32, #tpu.memory_space<hbm>>
      tpu.enqueue_dma source(%dma_start3A_36 : memref<32768xf32, #tpu.memory_space<hbm>>) target(%arg6 : memref<32768xf32, #tpu.memory_space<vmem>>) target_semaphore(%run_scoped3A : memref<!tpu.dma_semaphore, #tpu.memory_space<semaphore_mem>>)
      %dma_wait3A = tpu.memref_slice %arg2[%mul3A_6] : memref<2097152xf32, #tpu.memory_space<hbm>> -> memref<32768xf32, #tpu.memory_space<hbm>>
      %dma_wait3A_37 = tpu.memref_slice %arg2[%mul3A_6] : memref<2097152xf32, #tpu.memory_space<hbm>> -> memref<32768xf32, #tpu.memory_space<hbm>>
      tpu.wait_dma2 semaphore(%run_scoped3A : memref<!tpu.dma_semaphore, #tpu.memory_space<semaphore_mem>>) src(%dma_wait3A_37 : memref<32768xf32, #tpu.memory_space<hbm>>) dst(%arg6 : memref<32768xf32, #tpu.memory_space<vmem>>)
      tpu.yield
    }) : () -> ()
    %mul3A_7 = arith.constant 128 : i32
    %mul3A_8 = arith.muli %add3A_4, %mul3A_7 : i32
    "tpu.region"() ({
      %run_scoped3A = tpu.sem_alloc : memref<!tpu.dma_semaphore, #tpu.memory_space<semaphore_mem>>
      %dma_start3A = tpu.memref_slice %arg3[%mul3A_8] : memref<2097152xf32, #tpu.memory_space<hbm>> -> memref<32768xf32, #tpu.memory_space<hbm>>
      %dma_start3A_36 = tpu.memref_slice %arg3[%mul3A_8] : memref<2097152xf32, #tpu.memory_space<hbm>> -> memref<32768xf32, #tpu.memory_space<hbm>>
      tpu.enqueue_dma source(%dma_start3A_36 : memref<32768xf32, #tpu.memory_space<hbm>>) target(%arg7 : memref<32768xf32, #tpu.memory_space<vmem>>) target_semaphore(%run_scoped3A : memref<!tpu.dma_semaphore, #tpu.memory_space<semaphore_mem>>)
      %dma_wait3A = tpu.memref_slice %arg3[%mul3A_8] : memref<2097152xf32, #tpu.memory_space<hbm>> -> memref<32768xf32, #tpu.memory_space<hbm>>
      %dma_wait3A_37 = tpu.memref_slice %arg3[%mul3A_8] : memref<2097152xf32, #tpu.memory_space<hbm>> -> memref<32768xf32, #tpu.memory_space<hbm>>
      tpu.wait_dma2 semaphore(%run_scoped3A : memref<!tpu.dma_semaphore, #tpu.memory_space<semaphore_mem>>) src(%dma_wait3A_37 : memref<32768xf32, #tpu.memory_space<hbm>>) dst(%arg7 : memref<32768xf32, #tpu.memory_space<vmem>>)
      tpu.yield
    }) : () -> ()
    %scan3A = arith.constant 0 : i32
    %scan3A_9 = arith.constant 0 : i32
    %scan3A_10 = arith.constant 256 : i32
    %scan3A_11 = arith.addi %scan3A_9, %scan3A_10 : i32
    %scan3A_12 = arith.constant 1 : i32
    scf.for %scan3A_36 = %scan3A_9 to %scan3A_11 step %scan3A_12  : i32 {
      %mul3A_37 = arith.constant 128 : i32
      %mul3A_38 = arith.muli %scan3A_36, %mul3A_37 : i32
      %add3A_39 = arith.constant 0 : i32
      %add3A_40 = arith.addi %mul3A_38, %add3A_39 : i32
      %get3A = arith.index_cast %add3A_40 : i32 to index
      %get3A_41 = tpu.vector_load %arg6[%get3A] {strides = array<i32>} : memref<32768xf32, #tpu.memory_space<vmem>>, vector<16xf32>,
      %neg3A = arith.constant 0.000000e+00 : f32
      %neg3A_42 = vector.broadcast %neg3A : f32 to vector<16xf32>
      %neg3A_43 = arith.subf %neg3A_42, %get3A_41 : vector<16xf32>
      %add3A_44 = arith.constant 0 : i32
      %add3A_45 = arith.addi %mul3A_38, %add3A_44 : i32
      %get3A_46 = arith.index_cast %add3A_45 : i32 to index
      %get3A_47 = tpu.vector_load %arg7[%get3A_46] {strides = array<i32>} : memref<32768xf32, #tpu.memory_space<vmem>>, vector<16xf32>,
      %add3A_48 = arith.constant 16 : i32
      %add3A_49 = arith.addi %mul3A_38, %add3A_48 : i32
      %get3A_50 = arith.index_cast %add3A_49 : i32 to index
      %get3A_51 = tpu.vector_load %arg6[%get3A_50] {strides = array<i32>} : memref<32768xf32, #tpu.memory_space<vmem>>, vector<16xf32>,
      %neg3A_52 = arith.constant 0.000000e+00 : f32
      %neg3A_53 = vector.broadcast %neg3A_52 : f32 to vector<16xf32>
      %neg3A_54 = arith.subf %neg3A_53, %get3A_51 : vector<16xf32>
      %add3A_55 = arith.constant 16 : i32
      %add3A_56 = arith.addi %mul3A_38, %add3A_55 : i32
      %get3A_57 = arith.index_cast %add3A_56 : i32 to index
      %get3A_58 = tpu.vector_load %arg7[%get3A_57] {strides = array<i32>} : memref<32768xf32, #tpu.memory_space<vmem>>, vector<16xf32>,
      %add3A_59 = arith.constant 32 : i32
      %add3A_60 = arith.addi %mul3A_38, %add3A_59 : i32
      %get3A_61 = arith.index_cast %add3A_60 : i32 to index
      %get3A_62 = tpu.vector_load %arg6[%get3A_61] {strides = array<i32>} : memref<32768xf32, #tpu.memory_space<vmem>>, vector<16xf32>,
      %neg3A_63 = arith.constant 0.000000e+00 : f32
      %neg3A_64 = vector.broadcast %neg3A_63 : f32 to vector<16xf32>
      %neg3A_65 = arith.subf %neg3A_64, %get3A_62 : vector<16xf32>
      %add3A_66 = arith.constant 32 : i32
      %add3A_67 = arith.addi %mul3A_38, %add3A_66 : i32
      %get3A_68 = arith.index_cast %add3A_67 : i32 to index
      %get3A_69 = tpu.vector_load %arg7[%get3A_68] {strides = array<i32>} : memref<32768xf32, #tpu.memory_space<vmem>>, vector<16xf32>,
      %add3A_70 = arith.constant 48 : i32
      %add3A_71 = arith.addi %mul3A_38, %add3A_70 : i32
      %get3A_72 = arith.index_cast %add3A_71 : i32 to index
      %get3A_73 = tpu.vector_load %arg6[%get3A_72] {strides = array<i32>} : memref<32768xf32, #tpu.memory_space<vmem>>, vector<16xf32>,
      %neg3A_74 = arith.constant 0.000000e+00 : f32
      %neg3A_75 = vector.broadcast %neg3A_74 : f32 to vector<16xf32>
      %neg3A_76 = arith.subf %neg3A_75, %get3A_73 : vector<16xf32>
      %add3A_77 = arith.constant 48 : i32
      %add3A_78 = arith.addi %mul3A_38, %add3A_77 : i32
      %get3A_79 = arith.index_cast %add3A_78 : i32 to index
      %get3A_80 = tpu.vector_load %arg7[%get3A_79] {strides = array<i32>} : memref<32768xf32, #tpu.memory_space<vmem>>, vector<16xf32>,
      %add3A_81 = arith.constant 64 : i32
      %add3A_82 = arith.addi %mul3A_38, %add3A_81 : i32
      %get3A_83 = arith.index_cast %add3A_82 : i32 to index
      %get3A_84 = tpu.vector_load %arg6[%get3A_83] {strides = array<i32>} : memref<32768xf32, #tpu.memory_space<vmem>>, vector<16xf32>,
      %neg3A_85 = arith.constant 0.000000e+00 : f32
      %neg3A_86 = vector.broadcast %neg3A_85 : f32 to vector<16xf32>
      %neg3A_87 = arith.subf %neg3A_86, %get3A_84 : vector<16xf32>
      %add3A_88 = arith.constant 64 : i32
      %add3A_89 = arith.addi %mul3A_38, %add3A_88 : i32
      %get3A_90 = arith.index_cast %add3A_89 : i32 to index
      %get3A_91 = tpu.vector_load %arg7[%get3A_90] {strides = array<i32>} : memref<32768xf32, #tpu.memory_space<vmem>>, vector<16xf32>,
      %add3A_92 = arith.constant 80 : i32
      %add3A_93 = arith.addi %mul3A_38, %add3A_92 : i32
      %get3A_94 = arith.index_cast %add3A_93 : i32 to index
      %get3A_95 = tpu.vector_load %arg6[%get3A_94] {strides = array<i32>} : memref<32768xf32, #tpu.memory_space<vmem>>, vector<16xf32>,
      %neg3A_96 = arith.constant 0.000000e+00 : f32
      %neg3A_97 = vector.broadcast %neg3A_96 : f32 to vector<16xf32>
      %neg3A_98 = arith.subf %neg3A_97, %get3A_95 : vector<16xf32>
      %add3A_99 = arith.constant 80 : i32
      %add3A_100 = arith.addi %mul3A_38, %add3A_99 : i32
      %get3A_101 = arith.index_cast %add3A_100 : i32 to index
      %get3A_102 = tpu.vector_load %arg7[%get3A_101] {strides = array<i32>} : memref<32768xf32, #tpu.memory_space<vmem>>, vector<16xf32>,
      %add3A_103 = arith.constant 96 : i32
      %add3A_104 = arith.addi %mul3A_38, %add3A_103 : i32
      %get3A_105 = arith.index_cast %add3A_104 : i32 to index
      %get3A_106 = tpu.vector_load %arg6[%get3A_105] {strides = array<i32>} : memref<32768xf32, #tpu.memory_space<vmem>>, vector<16xf32>,
      %neg3A_107 = arith.constant 0.000000e+00 : f32
      %neg3A_108 = vector.broadcast %neg3A_107 : f32 to vector<16xf32>
      %neg3A_109 = arith.subf %neg3A_108, %get3A_106 : vector<16xf32>
      %add3A_110 = arith.constant 96 : i32
      %add3A_111 = arith.addi %mul3A_38, %add3A_110 : i32
      %get3A_112 = arith.index_cast %add3A_111 : i32 to index
      %get3A_113 = tpu.vector_load %arg7[%get3A_112] {strides = array<i32>} : memref<32768xf32, #tpu.memory_space<vmem>>, vector<16xf32>,
      %add3A_114 = arith.constant 112 : i32
      %add3A_115 = arith.addi %mul3A_38, %add3A_114 : i32
      %get3A_116 = arith.index_cast %add3A_115 : i32 to index
      %get3A_117 = tpu.vector_load %arg6[%get3A_116] {strides = array<i32>} : memref<32768xf32, #tpu.memory_space<vmem>>, vector<16xf32>,
      %neg3A_118 = arith.constant 0.000000e+00 : f32
      %neg3A_119 = vector.broadcast %neg3A_118 : f32 to vector<16xf32>
      %neg3A_120 = arith.subf %neg3A_119, %get3A_117 : vector<16xf32>
      %add3A_121 = arith.constant 112 : i32
      %add3A_122 = arith.addi %mul3A_38, %add3A_121 : i32
      %get3A_123 = arith.index_cast %add3A_122 : i32 to index
      %get3A_124 = tpu.vector_load %arg7[%get3A_123] {strides = array<i32>} : memref<32768xf32, #tpu.memory_space<vmem>>, vector<16xf32>,
      %masked_sort3A = arith.constant dense<true> : vector<16xi1>
      %masked_sort3A_125, %masked_sort3A_126, %masked_sort3A_127 = tpu.sort %neg3A_43, %get3A_47 masked %masked_sort3A : (vector<16xf32>, vector<16xf32>, vector<16xi1>) -> (vector<16xi1>, vector<16xf32>, vector<16xf32>)
      %rev3A = arith.constant 15 : i32
      %rev3A_128 = vector.broadcast %rev3A : i32 to vector<16xi32>
      %rev3A_129 = tpu.iota {dimensions = array<i32: 0>} : vector<16xi32>
      %rev3A_130 = arith.subi %rev3A_128, %rev3A_129 : vector<16xi32>
      %rev3A_131 = tpu.dynamic_gather %masked_sort3A_126[%rev3A_130] in [0] : vector<16xf32>, vector<16xi32> -> vector<16xf32>
      %rev3A_132 = arith.constant 15 : i32
      %rev3A_133 = vector.broadcast %rev3A_132 : i32 to vector<16xi32>
      %rev3A_134 = tpu.iota {dimensions = array<i32: 0>} : vector<16xi32>
      %rev3A_135 = arith.subi %rev3A_133, %rev3A_134 : vector<16xi32>
      %rev3A_136 = tpu.dynamic_gather %masked_sort3A_127[%rev3A_135] in [0] : vector<16xf32>, vector<16xi32> -> vector<16xf32>
      %masked_sort3A_137 = arith.constant dense<true> : vector<16xi1>
      %masked_sort3A_138, %masked_sort3A_139, %masked_sort3A_140 = tpu.sort %neg3A_54, %get3A_58 masked %masked_sort3A_137 : (vector<16xf32>, vector<16xf32>, vector<16xi1>) -> (vector<16xi1>, vector<16xf32>, vector<16xf32>)
      %gt3A = arith.cmpf ogt, %rev3A_131, %masked_sort3A_139 : vector<16xf32>
      %select_n3A = arith.select %gt3A, %masked_sort3A_139, %rev3A_131 : vector<16xi1>, vector<16xf32>
      %select_n3A_141 = arith.select %gt3A, %masked_sort3A_140, %rev3A_136 : vector<16xi1>, vector<16xf32>
      %select_n3A_142 = arith.select %gt3A, %rev3A_131, %masked_sort3A_139 : vector<16xi1>, vector<16xf32>
      %select_n3A_143 = arith.select %gt3A, %rev3A_136, %masked_sort3A_140 : vector<16xi1>, vector<16xf32>
      %masked_sort3A_144 = arith.constant dense<true> : vector<16xi1>
      %masked_sort3A_145, %masked_sort3A_146, %masked_sort3A_147 = tpu.sort %select_n3A, %select_n3A_141 masked %masked_sort3A_144 : (vector<16xf32>, vector<16xf32>, vector<16xi1>) -> (vector<16xi1>, vector<16xf32>, vector<16xf32>)
      %masked_sort3A_148 = arith.constant dense<true> : vector<16xi1>
      %masked_sort3A_149, %masked_sort3A_150, %masked_sort3A_151 = tpu.sort %select_n3A_142, %select_n3A_143 masked %masked_sort3A_148 : (vector<16xf32>, vector<16xf32>, vector<16xi1>) -> (vector<16xi1>, vector<16xf32>, vector<16xf32>)
      %masked_sort3A_152 = arith.constant dense<true> : vector<16xi1>
      %masked_sort3A_153, %masked_sort3A_154, %masked_sort3A_155 = tpu.sort %neg3A_65, %get3A_69 masked %masked_sort3A_152 : (vector<16xf32>, vector<16xf32>, vector<16xi1>) -> (vector<16xi1>, vector<16xf32>, vector<16xf32>)
      %masked_sort3A_156 = arith.constant dense<true> : vector<16xi1>
      %masked_sort3A_157, %masked_sort3A_158, %masked_sort3A_159 = tpu.sort %neg3A_76, %get3A_80 masked %masked_sort3A_156 : (vector<16xf32>, vector<16xf32>, vector<16xi1>) -> (vector<16xi1>, vector<16xf32>, vector<16xf32>)
      %rev3A_160 = arith.constant 15 : i32
      %rev3A_161 = vector.broadcast %rev3A_160 : i32 to vector<16xi32>
      %rev3A_162 = tpu.iota {dimensions = array<i32: 0>} : vector<16xi32>
      %rev3A_163 = arith.subi %rev3A_161, %rev3A_162 : vector<16xi32>
      %rev3A_164 = tpu.dynamic_gather %masked_sort3A_158[%rev3A_163] in [0] : vector<16xf32>, vector<16xi32> -> vector<16xf32>
      %rev3A_165 = arith.constant 15 : i32
      %rev3A_166 = vector.broadcast %rev3A_165 : i32 to vector<16xi32>
      %rev3A_167 = tpu.iota {dimensions = array<i32: 0>} : vector<16xi32>
      %rev3A_168 = arith.subi %rev3A_166, %rev3A_167 : vector<16xi32>
      %rev3A_169 = tpu.dynamic_gather %masked_sort3A_159[%rev3A_168] in [0] : vector<16xf32>, vector<16xi32> -> vector<16xf32>
      %lt3A = arith.cmpf olt, %masked_sort3A_154, %rev3A_164 : vector<16xf32>
      %select_n3A_170 = arith.select %lt3A, %rev3A_164, %masked_sort3A_154 : vector<16xi1>, vector<16xf32>
      %select_n3A_171 = arith.select %lt3A, %rev3A_169, %masked_sort3A_155 : vector<16xi1>, vector<16xf32>
      %select_n3A_172 = arith.select %lt3A, %masked_sort3A_154, %rev3A_164 : vector<16xi1>, vector<16xf32>
      %select_n3A_173 = arith.select %lt3A, %masked_sort3A_155, %rev3A_169 : vector<16xi1>, vector<16xf32>
      %masked_sort3A_174 = arith.constant dense<true> : vector<16xi1>
      %masked_sort3A_175, %masked_sort3A_176, %masked_sort3A_177 = tpu.sort %select_n3A_170, %select_n3A_171 masked %masked_sort3A_174 : (vector<16xf32>, vector<16xf32>, vector<16xi1>) -> (vector<16xi1>, vector<16xf32>, vector<16xf32>)
      %rev3A_178 = arith.constant 15 : i32
      %rev3A_179 = vector.broadcast %rev3A_178 : i32 to vector<16xi32>
      %rev3A_180 = tpu.iota {dimensions = array<i32: 0>} : vector<16xi32>
      %rev3A_181 = arith.subi %rev3A_179, %rev3A_180 : vector<16xi32>
      %rev3A_182 = tpu.dynamic_gather %masked_sort3A_176[%rev3A_181] in [0] : vector<16xf32>, vector<16xi32> -> vector<16xf32>
      %rev3A_183 = arith.constant 15 : i32
      %rev3A_184 = vector.broadcast %rev3A_183 : i32 to vector<16xi32>
      %rev3A_185 = tpu.iota {dimensions = array<i32: 0>} : vector<16xi32>
      %rev3A_186 = arith.subi %rev3A_184, %rev3A_185 : vector<16xi32>
      %rev3A_187 = tpu.dynamic_gather %masked_sort3A_177[%rev3A_186] in [0] : vector<16xf32>, vector<16xi32> -> vector<16xf32>
      %masked_sort3A_188 = arith.constant dense<true> : vector<16xi1>
      %masked_sort3A_189, %masked_sort3A_190, %masked_sort3A_191 = tpu.sort %select_n3A_172, %select_n3A_173 masked %masked_sort3A_188 : (vector<16xf32>, vector<16xf32>, vector<16xi1>) -> (vector<16xi1>, vector<16xf32>, vector<16xf32>)
      %rev3A_192 = arith.constant 15 : i32
      %rev3A_193 = vector.broadcast %rev3A_192 : i32 to vector<16xi32>
      %rev3A_194 = tpu.iota {dimensions = array<i32: 0>} : vector<16xi32>
      %rev3A_195 = arith.subi %rev3A_193, %rev3A_194 : vector<16xi32>
      %rev3A_196 = tpu.dynamic_gather %masked_sort3A_190[%rev3A_195] in [0] : vector<16xf32>, vector<16xi32> -> vector<16xf32>
      %rev3A_197 = arith.constant 15 : i32
      %rev3A_198 = vector.broadcast %rev3A_197 : i32 to vector<16xi32>
      %rev3A_199 = tpu.iota {dimensions = array<i32: 0>} : vector<16xi32>
      %rev3A_200 = arith.subi %rev3A_198, %rev3A_199 : vector<16xi32>
      %rev3A_201 = tpu.dynamic_gather %masked_sort3A_191[%rev3A_200] in [0] : vector<16xf32>, vector<16xi32> -> vector<16xf32>
      %lt3A_202 = arith.cmpf olt, %masked_sort3A_146, %rev3A_182 : vector<16xf32>
      %select_n3A_203 = arith.select %lt3A_202, %rev3A_182, %masked_sort3A_146 : vector<16xi1>, vector<16xf32>
      %select_n3A_204 = arith.select %lt3A_202, %rev3A_187, %masked_sort3A_147 : vector<16xi1>, vector<16xf32>
      %select_n3A_205 = arith.select %lt3A_202, %masked_sort3A_146, %rev3A_182 : vector<16xi1>, vector<16xf32>
      %select_n3A_206 = arith.select %lt3A_202, %masked_sort3A_147, %rev3A_187 : vector<16xi1>, vector<16xf32>
      %lt3A_207 = arith.cmpf olt, %masked_sort3A_150, %rev3A_196 : vector<16xf32>
      %select_n3A_208 = arith.select %lt3A_207, %rev3A_196, %masked_sort3A_150 : vector<16xi1>, vector<16xf32>
      %select_n3A_209 = arith.select %lt3A_207, %rev3A_201, %masked_sort3A_151 : vector<16xi1>, vector<16xf32>
      %select_n3A_210 = arith.select %lt3A_207, %masked_sort3A_150, %rev3A_196 : vector<16xi1>, vector<16xf32>
      %select_n3A_211 = arith.select %lt3A_207, %masked_sort3A_151, %rev3A_201 : vector<16xi1>, vector<16xf32>
      %lt3A_212 = arith.cmpf olt, %select_n3A_203, %select_n3A_208 : vector<16xf32>
      %select_n3A_213 = arith.select %lt3A_212, %select_n3A_208, %select_n3A_203 : vector<16xi1>, vector<16xf32>
      %select_n3A_214 = arith.select %lt3A_212, %select_n3A_209, %select_n3A_204 : vector<16xi1>, vector<16xf32>
      %select_n3A_215 = arith.select %lt3A_212, %select_n3A_203, %select_n3A_208 : vector<16xi1>, vector<16xf32>
      %select_n3A_216 = arith.select %lt3A_212, %select_n3A_204, %select_n3A_209 : vector<16xi1>, vector<16xf32>
      %masked_sort3A_217 = arith.constant dense<true> : vector<16xi1>
      %masked_sort3A_218, %masked_sort3A_219, %masked_sort3A_220 = tpu.sort %select_n3A_213, %select_n3A_214 masked %masked_sort3A_217 : (vector<16xf32>, vector<16xf32>, vector<16xi1>) -> (vector<16xi1>, vector<16xf32>, vector<16xf32>)
      %rev3A_221 = arith.constant 15 : i32
      %rev3A_222 = vector.broadcast %rev3A_221 : i32 to vector<16xi32>
      %rev3A_223 = tpu.iota {dimensions = array<i32: 0>} : vector<16xi32>
      %rev3A_224 = arith.subi %rev3A_222, %rev3A_223 : vector<16xi32>
      %rev3A_225 = tpu.dynamic_gather %masked_sort3A_219[%rev3A_224] in [0] : vector<16xf32>, vector<16xi32> -> vector<16xf32>
      %rev3A_226 = arith.constant 15 : i32
      %rev3A_227 = vector.broadcast %rev3A_226 : i32 to vector<16xi32>
      %rev3A_228 = tpu.iota {dimensions = array<i32: 0>} : vector<16xi32>
      %rev3A_229 = arith.subi %rev3A_227, %rev3A_228 : vector<16xi32>
      %rev3A_230 = tpu.dynamic_gather %masked_sort3A_220[%rev3A_229] in [0] : vector<16xf32>, vector<16xi32> -> vector<16xf32>
      %masked_sort3A_231 = arith.constant dense<true> : vector<16xi1>
      %masked_sort3A_232, %masked_sort3A_233, %masked_sort3A_234 = tpu.sort %select_n3A_215, %select_n3A_216 masked %masked_sort3A_231 : (vector<16xf32>, vector<16xf32>, vector<16xi1>) -> (vector<16xi1>, vector<16xf32>, vector<16xf32>)
      %rev3A_235 = arith.constant 15 : i32
      %rev3A_236 = vector.broadcast %rev3A_235 : i32 to vector<16xi32>
      %rev3A_237 = tpu.iota {dimensions = array<i32: 0>} : vector<16xi32>
      %rev3A_238 = arith.subi %rev3A_236, %rev3A_237 : vector<16xi32>
      %rev3A_239 = tpu.dynamic_gather %masked_sort3A_233[%rev3A_238] in [0] : vector<16xf32>, vector<16xi32> -> vector<16xf32>
      %rev3A_240 = arith.constant 15 : i32
      %rev3A_241 = vector.broadcast %rev3A_240 : i32 to vector<16xi32>
      %rev3A_242 = tpu.iota {dimensions = array<i32: 0>} : vector<16xi32>
      %rev3A_243 = arith.subi %rev3A_241, %rev3A_242 : vector<16xi32>
      %rev3A_244 = tpu.dynamic_gather %masked_sort3A_234[%rev3A_243] in [0] : vector<16xf32>, vector<16xi32> -> vector<16xf32>
      %lt3A_245 = arith.cmpf olt, %select_n3A_205, %select_n3A_210 : vector<16xf32>
      %select_n3A_246 = arith.select %lt3A_245, %select_n3A_210, %select_n3A_205 : vector<16xi1>, vector<16xf32>
      %select_n3A_247 = arith.select %lt3A_245, %select_n3A_211, %select_n3A_206 : vector<16xi1>, vector<16xf32>
      %select_n3A_248 = arith.select %lt3A_245, %select_n3A_205, %select_n3A_210 : vector<16xi1>, vector<16xf32>
      %select_n3A_249 = arith.select %lt3A_245, %select_n3A_206, %select_n3A_211 : vector<16xi1>, vector<16xf32>
      %masked_sort3A_250 = arith.constant dense<true> : vector<16xi1>
      %masked_sort3A_251, %masked_sort3A_252, %masked_sort3A_253 = tpu.sort %select_n3A_246, %select_n3A_247 masked %masked_sort3A_250 : (vector<16xf32>, vector<16xf32>, vector<16xi1>) -> (vector<16xi1>, vector<16xf32>, vector<16xf32>)
      %rev3A_254 = arith.constant 15 : i32
      %rev3A_255 = vector.broadcast %rev3A_254 : i32 to vector<16xi32>
      %rev3A_256 = tpu.iota {dimensions = array<i32: 0>} : vector<16xi32>
      %rev3A_257 = arith.subi %rev3A_255, %rev3A_256 : vector<16xi32>
      %rev3A_258 = tpu.dynamic_gather %masked_sort3A_252[%rev3A_257] in [0] : vector<16xf32>, vector<16xi32> -> vector<16xf32>
      %rev3A_259 = arith.constant 15 : i32
      %rev3A_260 = vector.broadcast %rev3A_259 : i32 to vector<16xi32>
      %rev3A_261 = tpu.iota {dimensions = array<i32: 0>} : vector<16xi32>
      %rev3A_262 = arith.subi %rev3A_260, %rev3A_261 : vector<16xi32>
      %rev3A_263 = tpu.dynamic_gather %masked_sort3A_253[%rev3A_262] in [0] : vector<16xf32>, vector<16xi32> -> vector<16xf32>
      %masked_sort3A_264 = arith.constant dense<true> : vector<16xi1>
      %masked_sort3A_265, %masked_sort3A_266, %masked_sort3A_267 = tpu.sort %select_n3A_248, %select_n3A_249 masked %masked_sort3A_264 : (vector<16xf32>, vector<16xf32>, vector<16xi1>) -> (vector<16xi1>, vector<16xf32>, vector<16xf32>)
      %rev3A_268 = arith.constant 15 : i32
      %rev3A_269 = vector.broadcast %rev3A_268 : i32 to vector<16xi32>
      %rev3A_270 = tpu.iota {dimensions = array<i32: 0>} : vector<16xi32>
      %rev3A_271 = arith.subi %rev3A_269, %rev3A_270 : vector<16xi32>
      %rev3A_272 = tpu.dynamic_gather %masked_sort3A_266[%rev3A_271] in [0] : vector<16xf32>, vector<16xi32> -> vector<16xf32>
      %rev3A_273 = arith.constant 15 : i32
      %rev3A_274 = vector.broadcast %rev3A_273 : i32 to vector<16xi32>
      %rev3A_275 = tpu.iota {dimensions = array<i32: 0>} : vector<16xi32>
      %rev3A_276 = arith.subi %rev3A_274, %rev3A_275 : vector<16xi32>
      %rev3A_277 = tpu.dynamic_gather %masked_sort3A_267[%rev3A_276] in [0] : vector<16xf32>, vector<16xi32> -> vector<16xf32>
      %masked_sort3A_278 = arith.constant dense<true> : vector<16xi1>
      %masked_sort3A_279, %masked_sort3A_280, %masked_sort3A_281 = tpu.sort %neg3A_87, %get3A_91 masked %masked_sort3A_278 : (vector<16xf32>, vector<16xf32>, vector<16xi1>) -> (vector<16xi1>, vector<16xf32>, vector<16xf32>)
      %masked_sort3A_282 = arith.constant dense<true> : vector<16xi1>
      %masked_sort3A_283, %masked_sort3A_284, %masked_sort3A_285 = tpu.sort %neg3A_98, %get3A_102 masked %masked_sort3A_282 : (vector<16xf32>, vector<16xf32>, vector<16xi1>) -> (vector<16xi1>, vector<16xf32>, vector<16xf32>)
      %rev3A_286 = arith.constant 15 : i32
      %rev3A_287 = vector.broadcast %rev3A_286 : i32 to vector<16xi32>
      %rev3A_288 = tpu.iota {dimensions = array<i32: 0>} : vector<16xi32>
      %rev3A_289 = arith.subi %rev3A_287, %rev3A_288 : vector<16xi32>
      %rev3A_290 = tpu.dynamic_gather %masked_sort3A_284[%rev3A_289] in [0] : vector<16xf32>, vector<16xi32> -> vector<16xf32>
      %rev3A_291 = arith.constant 15 : i32
      %rev3A_292 = vector.broadcast %rev3A_291 : i32 to vector<16xi32>
      %rev3A_293 = tpu.iota {dimensions = array<i32: 0>} : vector<16xi32>
      %rev3A_294 = arith.subi %rev3A_292, %rev3A_293 : vector<16xi32>
      %rev3A_295 = tpu.dynamic_gather %masked_sort3A_285[%rev3A_294] in [0] : vector<16xf32>, vector<16xi32> -> vector<16xf32>
      %lt3A_296 = arith.cmpf olt, %masked_sort3A_280, %rev3A_290 : vector<16xf32>
      %select_n3A_297 = arith.select %lt3A_296, %rev3A_290, %masked_sort3A_280 : vector<16xi1>, vector<16xf32>
      %select_n3A_298 = arith.select %lt3A_296, %rev3A_295, %masked_sort3A_281 : vector<16xi1>, vector<16xf32>
      %select_n3A_299 = arith.select %lt3A_296, %masked_sort3A_280, %rev3A_290 : vector<16xi1>, vector<16xf32>
      %select_n3A_300 = arith.select %lt3A_296, %masked_sort3A_281, %rev3A_295 : vector<16xi1>, vector<16xf32>
      %masked_sort3A_301 = arith.constant dense<true> : vector<16xi1>
      %masked_sort3A_302, %masked_sort3A_303, %masked_sort3A_304 = tpu.sort %select_n3A_297, %select_n3A_298 masked %masked_sort3A_301 : (vector<16xf32>, vector<16xf32>, vector<16xi1>) -> (vector<16xi1>, vector<16xf32>, vector<16xf32>)
      %rev3A_305 = arith.constant 15 : i32
      %rev3A_306 = vector.broadcast %rev3A_305 : i32 to vector<16xi32>
      %rev3A_307 = tpu.iota {dimensions = array<i32: 0>} : vector<16xi32>
      %rev3A_308 = arith.subi %rev3A_306, %rev3A_307 : vector<16xi32>
      %rev3A_309 = tpu.dynamic_gather %masked_sort3A_303[%rev3A_308] in [0] : vector<16xf32>, vector<16xi32> -> vector<16xf32>
      %rev3A_310 = arith.constant 15 : i32
      %rev3A_311 = vector.broadcast %rev3A_310 : i32 to vector<16xi32>
      %rev3A_312 = tpu.iota {dimensions = array<i32: 0>} : vector<16xi32>
      %rev3A_313 = arith.subi %rev3A_311, %rev3A_312 : vector<16xi32>
      %rev3A_314 = tpu.dynamic_gather %masked_sort3A_304[%rev3A_313] in [0] : vector<16xf32>, vector<16xi32> -> vector<16xf32>
      %masked_sort3A_315 = arith.constant dense<true> : vector<16xi1>
      %masked_sort3A_316, %masked_sort3A_317, %masked_sort3A_318 = tpu.sort %select_n3A_299, %select_n3A_300 masked %masked_sort3A_315 : (vector<16xf32>, vector<16xf32>, vector<16xi1>) -> (vector<16xi1>, vector<16xf32>, vector<16xf32>)
      %rev3A_319 = arith.constant 15 : i32
      %rev3A_320 = vector.broadcast %rev3A_319 : i32 to vector<16xi32>
      %rev3A_321 = tpu.iota {dimensions = array<i32: 0>} : vector<16xi32>
      %rev3A_322 = arith.subi %rev3A_320, %rev3A_321 : vector<16xi32>
      %rev3A_323 = tpu.dynamic_gather %masked_sort3A_317[%rev3A_322] in [0] : vector<16xf32>, vector<16xi32> -> vector<16xf32>
      %rev3A_324 = arith.constant 15 : i32
      %rev3A_325 = vector.broadcast %rev3A_324 : i32 to vector<16xi32>
      %rev3A_326 = tpu.iota {dimensions = array<i32: 0>} : vector<16xi32>
      %rev3A_327 = arith.subi %rev3A_325, %rev3A_326 : vector<16xi32>
      %rev3A_328 = tpu.dynamic_gather %masked_sort3A_318[%rev3A_327] in [0] : vector<16xf32>, vector<16xi32> -> vector<16xf32>
      %masked_sort3A_329 = arith.constant dense<true> : vector<16xi1>
      %masked_sort3A_330, %masked_sort3A_331, %masked_sort3A_332 = tpu.sort %neg3A_109, %get3A_113 masked %masked_sort3A_329 : (vector<16xf32>, vector<16xf32>, vector<16xi1>) -> (vector<16xi1>, vector<16xf32>, vector<16xf32>)
      %rev3A_333 = arith.constant 15 : i32
      %rev3A_334 = vector.broadcast %rev3A_333 : i32 to vector<16xi32>
      %rev3A_335 = tpu.iota {dimensions = array<i32: 0>} : vector<16xi32>
      %rev3A_336 = arith.subi %rev3A_334, %rev3A_335 : vector<16xi32>
      %rev3A_337 = tpu.dynamic_gather %masked_sort3A_331[%rev3A_336] in [0] : vector<16xf32>, vector<16xi32> -> vector<16xf32>
      %rev3A_338 = arith.constant 15 : i32
      %rev3A_339 = vector.broadcast %rev3A_338 : i32 to vector<16xi32>
      %rev3A_340 = tpu.iota {dimensions = array<i32: 0>} : vector<16xi32>
      %rev3A_341 = arith.subi %rev3A_339, %rev3A_340 : vector<16xi32>
      %rev3A_342 = tpu.dynamic_gather %masked_sort3A_332[%rev3A_341] in [0] : vector<16xf32>, vector<16xi32> -> vector<16xf32>
      %masked_sort3A_343 = arith.constant dense<true> : vector<16xi1>
      %masked_sort3A_344, %masked_sort3A_345, %masked_sort3A_346 = tpu.sort %neg3A_120, %get3A_124 masked %masked_sort3A_343 : (vector<16xf32>, vector<16xf32>, vector<16xi1>) -> (vector<16xi1>, vector<16xf32>, vector<16xf32>)
      %gt3A_347 = arith.cmpf ogt, %rev3A_337, %masked_sort3A_345 : vector<16xf32>
      %select_n3A_348 = arith.select %gt3A_347, %masked_sort3A_345, %rev3A_337 : vector<16xi1>, vector<16xf32>
      %select_n3A_349 = arith.select %gt3A_347, %masked_sort3A_346, %rev3A_342 : vector<16xi1>, vector<16xf32>
      %select_n3A_350 = arith.select %gt3A_347, %rev3A_337, %masked_sort3A_345 : vector<16xi1>, vector<16xf32>
      %select_n3A_351 = arith.select %gt3A_347, %rev3A_342, %masked_sort3A_346 : vector<16xi1>, vector<16xf32>
      %masked_sort3A_352 = arith.constant dense<true> : vector<16xi1>
      %masked_sort3A_353, %masked_sort3A_354, %masked_sort3A_355 = tpu.sort %select_n3A_348, %select_n3A_349 masked %masked_sort3A_352 : (vector<16xf32>, vector<16xf32>, vector<16xi1>) -> (vector<16xi1>, vector<16xf32>, vector<16xf32>)
      %masked_sort3A_356 = arith.constant dense<true> : vector<16xi1>
      %masked_sort3A_357, %masked_sort3A_358, %masked_sort3A_359 = tpu.sort %select_n3A_350, %select_n3A_351 masked %masked_sort3A_356 : (vector<16xf32>, vector<16xf32>, vector<16xi1>) -> (vector<16xi1>, vector<16xf32>, vector<16xf32>)
      %gt3A_360 = arith.cmpf ogt, %rev3A_309, %masked_sort3A_354 : vector<16xf32>
      %select_n3A_361 = arith.select %gt3A_360, %masked_sort3A_354, %rev3A_309 : vector<16xi1>, vector<16xf32>
      %select_n3A_362 = arith.select %gt3A_360, %masked_sort3A_355, %rev3A_314 : vector<16xi1>, vector<16xf32>
      %select_n3A_363 = arith.select %gt3A_360, %rev3A_309, %masked_sort3A_354 : vector<16xi1>, vector<16xf32>
      %select_n3A_364 = arith.select %gt3A_360, %rev3A_314, %masked_sort3A_355 : vector<16xi1>, vector<16xf32>
      %gt3A_365 = arith.cmpf ogt, %rev3A_323, %masked_sort3A_358 : vector<16xf32>
      %select_n3A_366 = arith.select %gt3A_365, %masked_sort3A_358, %rev3A_323 : vector<16xi1>, vector<16xf32>
      %select_n3A_367 = arith.select %gt3A_365, %masked_sort3A_359, %rev3A_328 : vector<16xi1>, vector<16xf32>
      %select_n3A_368 = arith.select %gt3A_365, %rev3A_323, %masked_sort3A_358 : vector<16xi1>, vector<16xf32>
      %select_n3A_369 = arith.select %gt3A_365, %rev3A_328, %masked_sort3A_359 : vector<16xi1>, vector<16xf32>
      %gt3A_370 = arith.cmpf ogt, %select_n3A_361, %select_n3A_366 : vector<16xf32>
      %select_n3A_371 = arith.select %gt3A_370, %select_n3A_366, %select_n3A_361 : vector<16xi1>, vector<16xf32>
      %select_n3A_372 = arith.select %gt3A_370, %select_n3A_367, %select_n3A_362 : vector<16xi1>, vector<16xf32>
      %select_n3A_373 = arith.select %gt3A_370, %select_n3A_361, %select_n3A_366 : vector<16xi1>, vector<16xf32>
      %select_n3A_374 = arith.select %gt3A_370, %select_n3A_362, %select_n3A_367 : vector<16xi1>, vector<16xf32>
      %masked_sort3A_375 = arith.constant dense<true> : vector<16xi1>
      %masked_sort3A_376, %masked_sort3A_377, %masked_sort3A_378 = tpu.sort %select_n3A_371, %select_n3A_372 masked %masked_sort3A_375 : (vector<16xf32>, vector<16xf32>, vector<16xi1>) -> (vector<16xi1>, vector<16xf32>, vector<16xf32>)
      %masked_sort3A_379 = arith.constant dense<true> : vector<16xi1>
      %masked_sort3A_380, %masked_sort3A_381, %masked_sort3A_382 = tpu.sort %select_n3A_373, %select_n3A_374 masked %masked_sort3A_379 : (vector<16xf32>, vector<16xf32>, vector<16xi1>) -> (vector<16xi1>, vector<16xf32>, vector<16xf32>)
      %gt3A_383 = arith.cmpf ogt, %select_n3A_363, %select_n3A_368 : vector<16xf32>
      %select_n3A_384 = arith.select %gt3A_383, %select_n3A_368, %select_n3A_363 : vector<16xi1>, vector<16xf32>
      %select_n3A_385 = arith.select %gt3A_383, %select_n3A_369, %select_n3A_364 : vector<16xi1>, vector<16xf32>
      %select_n3A_386 = arith.select %gt3A_383, %select_n3A_363, %select_n3A_368 : vector<16xi1>, vector<16xf32>
      %select_n3A_387 = arith.select %gt3A_383, %select_n3A_364, %select_n3A_369 : vector<16xi1>, vector<16xf32>
      %masked_sort3A_388 = arith.constant dense<true> : vector<16xi1>
      %masked_sort3A_389, %masked_sort3A_390, %masked_sort3A_391 = tpu.sort %select_n3A_384, %select_n3A_385 masked %masked_sort3A_388 : (vector<16xf32>, vector<16xf32>, vector<16xi1>) -> (vector<16xi1>, vector<16xf32>, vector<16xf32>)
      %masked_sort3A_392 = arith.constant dense<true> : vector<16xi1>
      %masked_sort3A_393, %masked_sort3A_394, %masked_sort3A_395 = tpu.sort %select_n3A_386, %select_n3A_387 masked %masked_sort3A_392 : (vector<16xf32>, vector<16xf32>, vector<16xi1>) -> (vector<16xi1>, vector<16xf32>, vector<16xf32>)
      %gt3A_396 = arith.cmpf ogt, %rev3A_225, %masked_sort3A_377 : vector<16xf32>
      %select_n3A_397 = arith.select %gt3A_396, %masked_sort3A_377, %rev3A_225 : vector<16xi1>, vector<16xf32>
      %select_n3A_398 = arith.select %gt3A_396, %masked_sort3A_378, %rev3A_230 : vector<16xi1>, vector<16xf32>
      %select_n3A_399 = arith.select %gt3A_396, %rev3A_225, %masked_sort3A_377 : vector<16xi1>, vector<16xf32>
      %select_n3A_400 = arith.select %gt3A_396, %rev3A_230, %masked_sort3A_378 : vector<16xi1>, vector<16xf32>
      %gt3A_401 = arith.cmpf ogt, %rev3A_239, %masked_sort3A_381 : vector<16xf32>
      %select_n3A_402 = arith.select %gt3A_401, %masked_sort3A_381, %rev3A_239 : vector<16xi1>, vector<16xf32>
      %select_n3A_403 = arith.select %gt3A_401, %masked_sort3A_382, %rev3A_244 : vector<16xi1>, vector<16xf32>
      %select_n3A_404 = arith.select %gt3A_401, %rev3A_239, %masked_sort3A_381 : vector<16xi1>, vector<16xf32>
      %select_n3A_405 = arith.select %gt3A_401, %rev3A_244, %masked_sort3A_382 : vector<16xi1>, vector<16xf32>
      %gt3A_406 = arith.cmpf ogt, %rev3A_258, %masked_sort3A_390 : vector<16xf32>
      %select_n3A_407 = arith.select %gt3A_406, %masked_sort3A_390, %rev3A_258 : vector<16xi1>, vector<16xf32>
      %select_n3A_408 = arith.select %gt3A_406, %masked_sort3A_391, %rev3A_263 : vector<16xi1>, vector<16xf32>
      %select_n3A_409 = arith.select %gt3A_406, %rev3A_258, %masked_sort3A_390 : vector<16xi1>, vector<16xf32>
      %select_n3A_410 = arith.select %gt3A_406, %rev3A_263, %masked_sort3A_391 : vector<16xi1>, vector<16xf32>
      %gt3A_411 = arith.cmpf ogt, %rev3A_272, %masked_sort3A_394 : vector<16xf32>
      %select_n3A_412 = arith.select %gt3A_411, %masked_sort3A_394, %rev3A_272 : vector<16xi1>, vector<16xf32>
      %select_n3A_413 = arith.select %gt3A_411, %masked_sort3A_395, %rev3A_277 : vector<16xi1>, vector<16xf32>
      %select_n3A_414 = arith.select %gt3A_411, %rev3A_272, %masked_sort3A_394 : vector<16xi1>, vector<16xf32>
      %select_n3A_415 = arith.select %gt3A_411, %rev3A_277, %masked_sort3A_395 : vector<16xi1>, vector<16xf32>
      %gt3A_416 = arith.cmpf ogt, %select_n3A_397, %select_n3A_407 : vector<16xf32>
      %select_n3A_417 = arith.select %gt3A_416, %select_n3A_407, %select_n3A_397 : vector<16xi1>, vector<16xf32>
      %select_n3A_418 = arith.select %gt3A_416, %select_n3A_408, %select_n3A_398 : vector<16xi1>, vector<16xf32>
      %select_n3A_419 = arith.select %gt3A_416, %select_n3A_397, %select_n3A_407 : vector<16xi1>, vector<16xf32>
      %select_n3A_420 = arith.select %gt3A_416, %select_n3A_398, %select_n3A_408 : vector<16xi1>, vector<16xf32>
      %gt3A_421 = arith.cmpf ogt, %select_n3A_402, %select_n3A_412 : vector<16xf32>
      %select_n3A_422 = arith.select %gt3A_421, %select_n3A_412, %select_n3A_402 : vector<16xi1>, vector<16xf32>
      %select_n3A_423 = arith.select %gt3A_421, %select_n3A_413, %select_n3A_403 : vector<16xi1>, vector<16xf32>
      %select_n3A_424 = arith.select %gt3A_421, %select_n3A_402, %select_n3A_412 : vector<16xi1>, vector<16xf32>
      %select_n3A_425 = arith.select %gt3A_421, %select_n3A_403, %select_n3A_413 : vector<16xi1>, vector<16xf32>
      %gt3A_426 = arith.cmpf ogt, %select_n3A_417, %select_n3A_422 : vector<16xf32>
      %select_n3A_427 = arith.select %gt3A_426, %select_n3A_422, %select_n3A_417 : vector<16xi1>, vector<16xf32>
      %select_n3A_428 = arith.select %gt3A_426, %select_n3A_423, %select_n3A_418 : vector<16xi1>, vector<16xf32>
      %select_n3A_429 = arith.select %gt3A_426, %select_n3A_417, %select_n3A_422 : vector<16xi1>, vector<16xf32>
      %select_n3A_430 = arith.select %gt3A_426, %select_n3A_418, %select_n3A_423 : vector<16xi1>, vector<16xf32>
      %masked_sort3A_431 = arith.constant dense<true> : vector<16xi1>
      %masked_sort3A_432, %masked_sort3A_433, %masked_sort3A_434 = tpu.sort %select_n3A_427, %select_n3A_428 masked %masked_sort3A_431 : (vector<16xf32>, vector<16xf32>, vector<16xi1>) -> (vector<16xi1>, vector<16xf32>, vector<16xf32>)
      %masked_sort3A_435 = arith.constant dense<true> : vector<16xi1>
      %masked_sort3A_436, %masked_sort3A_437, %masked_sort3A_438 = tpu.sort %select_n3A_429, %select_n3A_430 masked %masked_sort3A_435 : (vector<16xf32>, vector<16xf32>, vector<16xi1>) -> (vector<16xi1>, vector<16xf32>, vector<16xf32>)
      %gt3A_439 = arith.cmpf ogt, %select_n3A_419, %select_n3A_424 : vector<16xf32>
      %select_n3A_440 = arith.select %gt3A_439, %select_n3A_424, %select_n3A_419 : vector<16xi1>, vector<16xf32>
      %select_n3A_441 = arith.select %gt3A_439, %select_n3A_425, %select_n3A_420 : vector<16xi1>, vector<16xf32>
      %select_n3A_442 = arith.select %gt3A_439, %select_n3A_419, %select_n3A_424 : vector<16xi1>, vector<16xf32>
      %select_n3A_443 = arith.select %gt3A_439, %select_n3A_420, %select_n3A_425 : vector<16xi1>, vector<16xf32>
      %masked_sort3A_444 = arith.constant dense<true> : vector<16xi1>
      %masked_sort3A_445, %masked_sort3A_446, %masked_sort3A_447 = tpu.sort %select_n3A_440, %select_n3A_441 masked %masked_sort3A_444 : (vector<16xf32>, vector<16xf32>, vector<16xi1>) -> (vector<16xi1>, vector<16xf32>, vector<16xf32>)
      %masked_sort3A_448 = arith.constant dense<true> : vector<16xi1>
      %masked_sort3A_449, %masked_sort3A_450, %masked_sort3A_451 = tpu.sort %select_n3A_442, %select_n3A_443 masked %masked_sort3A_448 : (vector<16xf32>, vector<16xf32>, vector<16xi1>) -> (vector<16xi1>, vector<16xf32>, vector<16xf32>)
      %gt3A_452 = arith.cmpf ogt, %select_n3A_399, %select_n3A_409 : vector<16xf32>
      %select_n3A_453 = arith.select %gt3A_452, %select_n3A_409, %select_n3A_399 : vector<16xi1>, vector<16xf32>
      %select_n3A_454 = arith.select %gt3A_452, %select_n3A_410, %select_n3A_400 : vector<16xi1>, vector<16xf32>
      %select_n3A_455 = arith.select %gt3A_452, %select_n3A_399, %select_n3A_409 : vector<16xi1>, vector<16xf32>
      %select_n3A_456 = arith.select %gt3A_452, %select_n3A_400, %select_n3A_410 : vector<16xi1>, vector<16xf32>
      %gt3A_457 = arith.cmpf ogt, %select_n3A_404, %select_n3A_414 : vector<16xf32>
      %select_n3A_458 = arith.select %gt3A_457, %select_n3A_414, %select_n3A_404 : vector<16xi1>, vector<16xf32>
      %select_n3A_459 = arith.select %gt3A_457, %select_n3A_415, %select_n3A_405 : vector<16xi1>, vector<16xf32>
      %select_n3A_460 = arith.select %gt3A_457, %select_n3A_404, %select_n3A_414 : vector<16xi1>, vector<16xf32>
      %select_n3A_461 = arith.select %gt3A_457, %select_n3A_405, %select_n3A_415 : vector<16xi1>, vector<16xf32>
      %gt3A_462 = arith.cmpf ogt, %select_n3A_453, %select_n3A_458 : vector<16xf32>
      %select_n3A_463 = arith.select %gt3A_462, %select_n3A_458, %select_n3A_453 : vector<16xi1>, vector<16xf32>
      %select_n3A_464 = arith.select %gt3A_462, %select_n3A_459, %select_n3A_454 : vector<16xi1>, vector<16xf32>
      %select_n3A_465 = arith.select %gt3A_462, %select_n3A_453, %select_n3A_458 : vector<16xi1>, vector<16xf32>
      %select_n3A_466 = arith.select %gt3A_462, %select_n3A_454, %select_n3A_459 : vector<16xi1>, vector<16xf32>
      %masked_sort3A_467 = arith.constant dense<true> : vector<16xi1>
      %masked_sort3A_468, %masked_sort3A_469, %masked_sort3A_470 = tpu.sort %select_n3A_463, %select_n3A_464 masked %masked_sort3A_467 : (vector<16xf32>, vector<16xf32>, vector<16xi1>) -> (vector<16xi1>, vector<16xf32>, vector<16xf32>)
      %masked_sort3A_471 = arith.constant dense<true> : vector<16xi1>
      %masked_sort3A_472, %masked_sort3A_473, %masked_sort3A_474 = tpu.sort %select_n3A_465, %select_n3A_466 masked %masked_sort3A_471 : (vector<16xf32>, vector<16xf32>, vector<16xi1>) -> (vector<16xi1>, vector<16xf32>, vector<16xf32>)
      %gt3A_475 = arith.cmpf ogt, %select_n3A_455, %select_n3A_460 : vector<16xf32>
      %select_n3A_476 = arith.select %gt3A_475, %select_n3A_460, %select_n3A_455 : vector<16xi1>, vector<16xf32>
      %select_n3A_477 = arith.select %gt3A_475, %select_n3A_461, %select_n3A_456 : vector<16xi1>, vector<16xf32>
      %select_n3A_478 = arith.select %gt3A_475, %select_n3A_455, %select_n3A_460 : vector<16xi1>, vector<16xf32>
      %select_n3A_479 = arith.select %gt3A_475, %select_n3A_456, %select_n3A_461 : vector<16xi1>, vector<16xf32>
      %masked_sort3A_480 = arith.constant dense<true> : vector<16xi1>
      %masked_sort3A_481, %masked_sort3A_482, %masked_sort3A_483 = tpu.sort %select_n3A_476, %select_n3A_477 masked %masked_sort3A_480 : (vector<16xf32>, vector<16xf32>, vector<16xi1>) -> (vector<16xi1>, vector<16xf32>, vector<16xf32>)
      %masked_sort3A_484 = arith.constant dense<true> : vector<16xi1>
      %masked_sort3A_485, %masked_sort3A_486, %masked_sort3A_487 = tpu.sort %select_n3A_478, %select_n3A_479 masked %masked_sort3A_484 : (vector<16xf32>, vector<16xf32>, vector<16xi1>) -> (vector<16xi1>, vector<16xf32>, vector<16xf32>)
      %add3A_488 = arith.constant 0 : i32
      %add3A_489 = arith.addi %mul3A_38, %add3A_488 : i32
      %swap3A = arith.index_cast %add3A_489 : i32 to index
      %swap3A_490 = tpu.vector_load %arg6[%swap3A] {strides = array<i32>} : memref<32768xf32, #tpu.memory_space<vmem>>, vector<16xf32>,
      tpu.vector_store %arg6[%swap3A], %masked_sort3A_433 {strides = array<i32>} : memref<32768xf32, #tpu.memory_space<vmem>>, vector<16xf32>,
      %add3A_491 = arith.constant 0 : i32
      %add3A_492 = arith.addi %mul3A_38, %add3A_491 : i32
      %swap3A_493 = arith.index_cast %add3A_492 : i32 to index
      %swap3A_494 = tpu.vector_load %arg7[%swap3A_493] {strides = array<i32>} : memref<32768xf32, #tpu.memory_space<vmem>>, vector<16xf32>,
      tpu.vector_store %arg7[%swap3A_493], %masked_sort3A_434 {strides = array<i32>} : memref<32768xf32, #tpu.memory_space<vmem>>, vector<16xf32>,
      %add3A_495 = arith.constant 16 : i32
      %add3A_496 = arith.addi %mul3A_38, %add3A_495 : i32
      %swap3A_497 = arith.index_cast %add3A_496 : i32 to index
      %swap3A_498 = tpu.vector_load %arg6[%swap3A_497] {strides = array<i32>} : memref<32768xf32, #tpu.memory_space<vmem>>, vector<16xf32>,
      tpu.vector_store %arg6[%swap3A_497], %masked_sort3A_437 {strides = array<i32>} : memref<32768xf32, #tpu.memory_space<vmem>>, vector<16xf32>,
      %add3A_499 = arith.constant 16 : i32
      %add3A_500 = arith.addi %mul3A_38, %add3A_499 : i32
      %swap3A_501 = arith.index_cast %add3A_500 : i32 to index
      %swap3A_502 = tpu.vector_load %arg7[%swap3A_501] {strides = array<i32>} : memref<32768xf32, #tpu.memory_space<vmem>>, vector<16xf32>,
      tpu.vector_store %arg7[%swap3A_501], %masked_sort3A_438 {strides = array<i32>} : memref<32768xf32, #tpu.memory_space<vmem>>, vector<16xf32>,
      %add3A_503 = arith.constant 32 : i32
      %add3A_504 = arith.addi %mul3A_38, %add3A_503 : i32
      %swap3A_505 = arith.index_cast %add3A_504 : i32 to index
      %swap3A_506 = tpu.vector_load %arg6[%swap3A_505] {strides = array<i32>} : memref<32768xf32, #tpu.memory_space<vmem>>, vector<16xf32>,
      tpu.vector_store %arg6[%swap3A_505], %masked_sort3A_446 {strides = array<i32>} : memref<32768xf32, #tpu.memory_space<vmem>>, vector<16xf32>,
      %add3A_507 = arith.constant 32 : i32
      %add3A_508 = arith.addi %mul3A_38, %add3A_507 : i32
      %swap3A_509 = arith.index_cast %add3A_508 : i32 to index
      %swap3A_510 = tpu.vector_load %arg7[%swap3A_509] {strides = array<i32>} : memref<32768xf32, #tpu.memory_space<vmem>>, vector<16xf32>,
      tpu.vector_store %arg7[%swap3A_509], %masked_sort3A_447 {strides = array<i32>} : memref<32768xf32, #tpu.memory_space<vmem>>, vector<16xf32>,
      %add3A_511 = arith.constant 48 : i32
      %add3A_512 = arith.addi %mul3A_38, %add3A_511 : i32
      %swap3A_513 = arith.index_cast %add3A_512 : i32 to index
      %swap3A_514 = tpu.vector_load %arg6[%swap3A_513] {strides = array<i32>} : memref<32768xf32, #tpu.memory_space<vmem>>, vector<16xf32>,
      tpu.vector_store %arg6[%swap3A_513], %masked_sort3A_450 {strides = array<i32>} : memref<32768xf32, #tpu.memory_space<vmem>>, vector<16xf32>,
      %add3A_515 = arith.constant 48 : i32
      %add3A_516 = arith.addi %mul3A_38, %add3A_515 : i32
      %swap3A_517 = arith.index_cast %add3A_516 : i32 to index
      %swap3A_518 = tpu.vector_load %arg7[%swap3A_517] {strides = array<i32>} : memref<32768xf32, #tpu.memory_space<vmem>>, vector<16xf32>,
      tpu.vector_store %arg7[%swap3A_517], %masked_sort3A_451 {strides = array<i32>} : memref<32768xf32, #tpu.memory_space<vmem>>, vector<16xf32>,
      %add3A_519 = arith.constant 64 : i32
      %add3A_520 = arith.addi %mul3A_38, %add3A_519 : i32
      %swap3A_521 = arith.index_cast %add3A_520 : i32 to index
      %swap3A_522 = tpu.vector_load %arg6[%swap3A_521] {strides = array<i32>} : memref<32768xf32, #tpu.memory_space<vmem>>, vector<16xf32>,
      tpu.vector_store %arg6[%swap3A_521], %masked_sort3A_469 {strides = array<i32>} : memref<32768xf32, #tpu.memory_space<vmem>>, vector<16xf32>,
      %add3A_523 = arith.constant 64 : i32
      %add3A_524 = arith.addi %mul3A_38, %add3A_523 : i32
      %swap3A_525 = arith.index_cast %add3A_524 : i32 to index
      %swap3A_526 = tpu.vector_load %arg7[%swap3A_525] {strides = array<i32>} : memref<32768xf32, #tpu.memory_space<vmem>>, vector<16xf32>,
      tpu.vector_store %arg7[%swap3A_525], %masked_sort3A_470 {strides = array<i32>} : memref<32768xf32, #tpu.memory_space<vmem>>, vector<16xf32>,
      %add3A_527 = arith.constant 80 : i32
      %add3A_528 = arith.addi %mul3A_38, %add3A_527 : i32
      %swap3A_529 = arith.index_cast %add3A_528 : i32 to index
      %swap3A_530 = tpu.vector_load %arg6[%swap3A_529] {strides = array<i32>} : memref<32768xf32, #tpu.memory_space<vmem>>, vector<16xf32>,
      tpu.vector_store %arg6[%swap3A_529], %masked_sort3A_473 {strides = array<i32>} : memref<32768xf32, #tpu.memory_space<vmem>>, vector<16xf32>,
      %add3A_531 = arith.constant 80 : i32
      %add3A_532 = arith.addi %mul3A_38, %add3A_531 : i32
      %swap3A_533 = arith.index_cast %add3A_532 : i32 to index
      %swap3A_534 = tpu.vector_load %arg7[%swap3A_533] {strides = array<i32>} : memref<32768xf32, #tpu.memory_space<vmem>>, vector<16xf32>,
      tpu.vector_store %arg7[%swap3A_533], %masked_sort3A_474 {strides = array<i32>} : memref<32768xf32, #tpu.memory_space<vmem>>, vector<16xf32>,
      %add3A_535 = arith.constant 96 : i32
      %add3A_536 = arith.addi %mul3A_38, %add3A_535 : i32
      %swap3A_537 = arith.index_cast %add3A_536 : i32 to index
      %swap3A_538 = tpu.vector_load %arg6[%swap3A_537] {strides = array<i32>} : memref<32768xf32, #tpu.memory_space<vmem>>, vector<16xf32>,
      tpu.vector_store %arg6[%swap3A_537], %masked_sort3A_482 {strides = array<i32>} : memref<32768xf32, #tpu.memory_space<vmem>>, vector<16xf32>,
      %add3A_539 = arith.constant 96 : i32
      %add3A_540 = arith.addi %mul3A_38, %add3A_539 : i32
      %swap3A_541 = arith.index_cast %add3A_540 : i32 to index
      %swap3A_542 = tpu.vector_load %arg7[%swap3A_541] {strides = array<i32>} : memref<32768xf32, #tpu.memory_space<vmem>>, vector<16xf32>,
      tpu.vector_store %arg7[%swap3A_541], %masked_sort3A_483 {strides = array<i32>} : memref<32768xf32, #tpu.memory_space<vmem>>, vector<16xf32>,
      %add3A_543 = arith.constant 112 : i32
      %add3A_544 = arith.addi %mul3A_38, %add3A_543 : i32
      %swap3A_545 = arith.index_cast %add3A_544 : i32 to index
      %swap3A_546 = tpu.vector_load %arg6[%swap3A_545] {strides = array<i32>} : memref<32768xf32, #tpu.memory_space<vmem>>, vector<16xf32>,
      tpu.vector_store %arg6[%swap3A_545], %masked_sort3A_486 {strides = array<i32>} : memref<32768xf32, #tpu.memory_space<vmem>>, vector<16xf32>,
      %add3A_547 = arith.constant 112 : i32
      %add3A_548 = arith.addi %mul3A_38, %add3A_547 : i32
      %swap3A_549 = arith.index_cast %add3A_548 : i32 to index
      %swap3A_550 = tpu.vector_load %arg7[%swap3A_549] {strides = array<i32>} : memref<32768xf32, #tpu.memory_space<vmem>>, vector<16xf32>,
      tpu.vector_store %arg7[%swap3A_549], %masked_sort3A_487 {strides = array<i32>} : memref<32768xf32, #tpu.memory_space<vmem>>, vector<16xf32>,
    }
    %scan3A_13 = arith.constant 256 : i32
    %mul3A_14 = arith.constant 128 : i32
    %mul3A_15 = arith.muli %add3A_4, %mul3A_14 : i32
    "tpu.region"() ({
      %run_scoped3A = tpu.sem_alloc : memref<!tpu.dma_semaphore, #tpu.memory_space<semaphore_mem>>
      %dma_start3A = tpu.memref_slice %arg4[%mul3A_15] : memref<2097152xf32, #tpu.memory_space<hbm>> -> memref<32768xf32, #tpu.memory_space<hbm>>
      %dma_start3A_36 = tpu.memref_slice %arg4[%mul3A_15] : memref<2097152xf32, #tpu.memory_space<hbm>> -> memref<32768xf32, #tpu.memory_space<hbm>>
      tpu.enqueue_dma source(%arg6 : memref<32768xf32, #tpu.memory_space<vmem>>) target(%dma_start3A_36 : memref<32768xf32, #tpu.memory_space<hbm>>) target_semaphore(%run_scoped3A : memref<!tpu.dma_semaphore, #tpu.memory_space<semaphore_mem>>)
      %dma_wait3A = tpu.memref_slice %arg4[%mul3A_15] : memref<2097152xf32, #tpu.memory_space<hbm>> -> memref<32768xf32, #tpu.memory_space<hbm>>
      %dma_wait3A_37 = tpu.memref_slice %arg4[%mul3A_15] : memref<2097152xf32, #tpu.memory_space<hbm>> -> memref<32768xf32, #tpu.memory_space<hbm>>
      tpu.wait_dma2 semaphore(%run_scoped3A : memref<!tpu.dma_semaphore, #tpu.memory_space<semaphore_mem>>) src(%arg6 : memref<32768xf32, #tpu.memory_space<vmem>>) dst(%dma_wait3A_37 : memref<32768xf32, #tpu.memory_space<hbm>>)
      tpu.yield
    }) : () -> ()
    %mul3A_16 = arith.constant 128 : i32
    %mul3A_17 = arith.muli %add3A_4, %mul3A_16 : i32
    "tpu.region"() ({
      %run_scoped3A = tpu.sem_alloc : memref<!tpu.dma_semaphore, #tpu.memory_space<semaphore_mem>>
      %dma_start3A = tpu.memref_slice %arg5[%mul3A_17] : memref<2097152xf32, #tpu.memory_space<hbm>> -> memref<32768xf32, #tpu.memory_space<hbm>>
      %dma_start3A_36 = tpu.memref_slice %arg5[%mul3A_17] : memref<2097152xf32, #tpu.memory_space<hbm>> -> memref<32768xf32, #tpu.memory_space<hbm>>
      tpu.enqueue_dma source(%arg7 : memref<32768xf32, #tpu.memory_space<vmem>>) target(%dma_start3A_36 : memref<32768xf32, #tpu.memory_space<hbm>>) target_semaphore(%run_scoped3A : memref<!tpu.dma_semaphore, #tpu.memory_space<semaphore_mem>>)
      %dma_wait3A = tpu.memref_slice %arg5[%mul3A_17] : memref<2097152xf32, #tpu.memory_space<hbm>> -> memref<32768xf32, #tpu.memory_space<hbm>>
      %dma_wait3A_37 = tpu.memref_slice %arg5[%mul3A_17] : memref<2097152xf32, #tpu.memory_space<hbm>> -> memref<32768xf32, #tpu.memory_space<hbm>>
      tpu.wait_dma2 semaphore(%run_scoped3A : memref<!tpu.dma_semaphore, #tpu.memory_space<semaphore_mem>>) src(%arg7 : memref<32768xf32, #tpu.memory_space<vmem>>) dst(%dma_wait3A_37 : memref<32768xf32, #tpu.memory_space<hbm>>)
      tpu.yield
    }) : () -> ()
    %mul3A_18 = arith.constant 512 : i32
    %mul3A_19 = arith.muli %add3A, %mul3A_18 : i32
    %add3A_20 = arith.constant 256 : i32
    %add3A_21 = arith.addi %mul3A_19, %add3A_20 : i32
    %mul3A_22 = arith.constant 128 : i32
    %mul3A_23 = arith.muli %add3A_21, %mul3A_22 : i32
    "tpu.region"() ({
      %run_scoped3A = tpu.sem_alloc : memref<!tpu.dma_semaphore, #tpu.memory_space<semaphore_mem>>
      %dma_start3A = tpu.memref_slice %arg2[%mul3A_23] : memref<2097152xf32, #tpu.memory_space<hbm>> -> memref<32768xf32, #tpu.memory_space<hbm>>
      %dma_start3A_36 = tpu.memref_slice %arg2[%mul3A_23] : memref<2097152xf32, #tpu.memory_space<hbm>> -> memref<32768xf32, #tpu.memory_space<hbm>>
      tpu.enqueue_dma source(%dma_start3A_36 : memref<32768xf32, #tpu.memory_space<hbm>>) target(%arg6 : memref<32768xf32, #tpu.memory_space<vmem>>) target_semaphore(%run_scoped3A : memref<!tpu.dma_semaphore, #tpu.memory_space<semaphore_mem>>)
      %dma_wait3A = tpu.memref_slice %arg2[%mul3A_23] : memref<2097152xf32, #tpu.memory_space<hbm>> -> memref<32768xf32, #tpu.memory_space<hbm>>
      %dma_wait3A_37 = tpu.memref_slice %arg2[%mul3A_23] : memref<2097152xf32, #tpu.memory_space<hbm>> -> memref<32768xf32, #tpu.memory_space<hbm>>
      tpu.wait_dma2 semaphore(%run_scoped3A : memref<!tpu.dma_semaphore, #tpu.memory_space<semaphore_mem>>) src(%dma_wait3A_37 : memref<32768xf32, #tpu.memory_space<hbm>>) dst(%arg6 : memref<32768xf32, #tpu.memory_space<vmem>>)
      tpu.yield
    }) : () -> ()
    %mul3A_24 = arith.constant 128 : i32
    %mul3A_25 = arith.muli %add3A_21, %mul3A_24 : i32
    "tpu.region"() ({
      %run_scoped3A = tpu.sem_alloc : memref<!tpu.dma_semaphore, #tpu.memory_space<semaphore_mem>>
      %dma_start3A = tpu.memref_slice %arg3[%mul3A_25] : memref<2097152xf32, #tpu.memory_space<hbm>> -> memref<32768xf32, #tpu.memory_space<hbm>>
      %dma_start3A_36 = tpu.memref_slice %arg3[%mul3A_25] : memref<2097152xf32, #tpu.memory_space<hbm>> -> memref<32768xf32, #tpu.memory_space<hbm>>
      tpu.enqueue_dma source(%dma_start3A_36 : memref<32768xf32, #tpu.memory_space<hbm>>) target(%arg7 : memref<32768xf32, #tpu.memory_space<vmem>>) target_semaphore(%run_scoped3A : memref<!tpu.dma_semaphore, #tpu.memory_space<semaphore_mem>>)
      %dma_wait3A = tpu.memref_slice %arg3[%mul3A_25] : memref<2097152xf32, #tpu.memory_space<hbm>> -> memref<32768xf32, #tpu.memory_space<hbm>>
      %dma_wait3A_37 = tpu.memref_slice %arg3[%mul3A_25] : memref<2097152xf32, #tpu.memory_space<hbm>> -> memref<32768xf32, #tpu.memory_space<hbm>>
      tpu.wait_dma2 semaphore(%run_scoped3A : memref<!tpu.dma_semaphore, #tpu.memory_space<semaphore_mem>>) src(%dma_wait3A_37 : memref<32768xf32, #tpu.memory_space<hbm>>) dst(%arg7 : memref<32768xf32, #tpu.memory_space<vmem>>)
      tpu.yield
    }) : () -> ()
    %scan3A_26 = arith.constant 0 : i32
    %scan3A_27 = arith.constant 0 : i32
    %scan3A_28 = arith.constant 256 : i32
    %scan3A_29 = arith.addi %scan3A_27, %scan3A_28 : i32
    %scan3A_30 = arith.constant 1 : i32
    scf.for %scan3A_36 = %scan3A_27 to %scan3A_29 step %scan3A_30  : i32 {
      %mul3A_37 = arith.constant 128 : i32
      %mul3A_38 = arith.muli %scan3A_36, %mul3A_37 : i32
      %add3A_39 = arith.constant 0 : i32
      %add3A_40 = arith.addi %mul3A_38, %add3A_39 : i32
      %get3A = arith.index_cast %add3A_40 : i32 to index
      %get3A_41 = tpu.vector_load %arg6[%get3A] {strides = array<i32>} : memref<32768xf32, #tpu.memory_space<vmem>>, vector<16xf32>,
      %neg3A = arith.constant 0.000000e+00 : f32
      %neg3A_42 = vector.broadcast %neg3A : f32 to vector<16xf32>
      %neg3A_43 = arith.subf %neg3A_42, %get3A_41 : vector<16xf32>
      %add3A_44 = arith.constant 0 : i32
      %add3A_45 = arith.addi %mul3A_38, %add3A_44 : i32
      %get3A_46 = arith.index_cast %add3A_45 : i32 to index
      %get3A_47 = tpu.vector_load %arg7[%get3A_46] {strides = array<i32>} : memref<32768xf32, #tpu.memory_space<vmem>>, vector<16xf32>,
      %add3A_48 = arith.constant 16 : i32
      %add3A_49 = arith.addi %mul3A_38, %add3A_48 : i32
      %get3A_50 = arith.index_cast %add3A_49 : i32 to index
      %get3A_51 = tpu.vector_load %arg6[%get3A_50] {strides = array<i32>} : memref<32768xf32, #tpu.memory_space<vmem>>, vector<16xf32>,
      %neg3A_52 = arith.constant 0.000000e+00 : f32
      %neg3A_53 = vector.broadcast %neg3A_52 : f32 to vector<16xf32>
      %neg3A_54 = arith.subf %neg3A_53, %get3A_51 : vector<16xf32>
      %add3A_55 = arith.constant 16 : i32
      %add3A_56 = arith.addi %mul3A_38, %add3A_55 : i32
      %get3A_57 = arith.index_cast %add3A_56 : i32 to index
      %get3A_58 = tpu.vector_load %arg7[%get3A_57] {strides = array<i32>} : memref<32768xf32, #tpu.memory_space<vmem>>, vector<16xf32>,
      %add3A_59 = arith.constant 32 : i32
      %add3A_60 = arith.addi %mul3A_38, %add3A_59 : i32
      %get3A_61 = arith.index_cast %add3A_60 : i32 to index
      %get3A_62 = tpu.vector_load %arg6[%get3A_61] {strides = array<i32>} : memref<32768xf32, #tpu.memory_space<vmem>>, vector<16xf32>,
      %neg3A_63 = arith.constant 0.000000e+00 : f32
      %neg3A_64 = vector.broadcast %neg3A_63 : f32 to vector<16xf32>
      %neg3A_65 = arith.subf %neg3A_64, %get3A_62 : vector<16xf32>
      %add3A_66 = arith.constant 32 : i32
      %add3A_67 = arith.addi %mul3A_38, %add3A_66 : i32
      %get3A_68 = arith.index_cast %add3A_67 : i32 to index
      %get3A_69 = tpu.vector_load %arg7[%get3A_68] {strides = array<i32>} : memref<32768xf32, #tpu.memory_space<vmem>>, vector<16xf32>,
      %add3A_70 = arith.constant 48 : i32
      %add3A_71 = arith.addi %mul3A_38, %add3A_70 : i32
      %get3A_72 = arith.index_cast %add3A_71 : i32 to index
      %get3A_73 = tpu.vector_load %arg6[%get3A_72] {strides = array<i32>} : memref<32768xf32, #tpu.memory_space<vmem>>, vector<16xf32>,
      %neg3A_74 = arith.constant 0.000000e+00 : f32
      %neg3A_75 = vector.broadcast %neg3A_74 : f32 to vector<16xf32>
      %neg3A_76 = arith.subf %neg3A_75, %get3A_73 : vector<16xf32>
      %add3A_77 = arith.constant 48 : i32
      %add3A_78 = arith.addi %mul3A_38, %add3A_77 : i32
      %get3A_79 = arith.index_cast %add3A_78 : i32 to index
      %get3A_80 = tpu.vector_load %arg7[%get3A_79] {strides = array<i32>} : memref<32768xf32, #tpu.memory_space<vmem>>, vector<16xf32>,
      %add3A_81 = arith.constant 64 : i32
      %add3A_82 = arith.addi %mul3A_38, %add3A_81 : i32
      %get3A_83 = arith.index_cast %add3A_82 : i32 to index
      %get3A_84 = tpu.vector_load %arg6[%get3A_83] {strides = array<i32>} : memref<32768xf32, #tpu.memory_space<vmem>>, vector<16xf32>,
      %neg3A_85 = arith.constant 0.000000e+00 : f32
      %neg3A_86 = vector.broadcast %neg3A_85 : f32 to vector<16xf32>
      %neg3A_87 = arith.subf %neg3A_86, %get3A_84 : vector<16xf32>
      %add3A_88 = arith.constant 64 : i32
      %add3A_89 = arith.addi %mul3A_38, %add3A_88 : i32
      %get3A_90 = arith.index_cast %add3A_89 : i32 to index
      %get3A_91 = tpu.vector_load %arg7[%get3A_90] {strides = array<i32>} : memref<32768xf32, #tpu.memory_space<vmem>>, vector<16xf32>,
      %add3A_92 = arith.constant 80 : i32
      %add3A_93 = arith.addi %mul3A_38, %add3A_92 : i32
      %get3A_94 = arith.index_cast %add3A_93 : i32 to index
      %get3A_95 = tpu.vector_load %arg6[%get3A_94] {strides = array<i32>} : memref<32768xf32, #tpu.memory_space<vmem>>, vector<16xf32>,
      %neg3A_96 = arith.constant 0.000000e+00 : f32
      %neg3A_97 = vector.broadcast %neg3A_96 : f32 to vector<16xf32>
      %neg3A_98 = arith.subf %neg3A_97, %get3A_95 : vector<16xf32>
      %add3A_99 = arith.constant 80 : i32
      %add3A_100 = arith.addi %mul3A_38, %add3A_99 : i32
      %get3A_101 = arith.index_cast %add3A_100 : i32 to index
      %get3A_102 = tpu.vector_load %arg7[%get3A_101] {strides = array<i32>} : memref<32768xf32, #tpu.memory_space<vmem>>, vector<16xf32>,
      %add3A_103 = arith.constant 96 : i32
      %add3A_104 = arith.addi %mul3A_38, %add3A_103 : i32
      %get3A_105 = arith.index_cast %add3A_104 : i32 to index
      %get3A_106 = tpu.vector_load %arg6[%get3A_105] {strides = array<i32>} : memref<32768xf32, #tpu.memory_space<vmem>>, vector<16xf32>,
      %neg3A_107 = arith.constant 0.000000e+00 : f32
      %neg3A_108 = vector.broadcast %neg3A_107 : f32 to vector<16xf32>
      %neg3A_109 = arith.subf %neg3A_108, %get3A_106 : vector<16xf32>
      %add3A_110 = arith.constant 96 : i32
      %add3A_111 = arith.addi %mul3A_38, %add3A_110 : i32
      %get3A_112 = arith.index_cast %add3A_111 : i32 to index
      %get3A_113 = tpu.vector_load %arg7[%get3A_112] {strides = array<i32>} : memref<32768xf32, #tpu.memory_space<vmem>>, vector<16xf32>,
      %add3A_114 = arith.constant 112 : i32
      %add3A_115 = arith.addi %mul3A_38, %add3A_114 : i32
      %get3A_116 = arith.index_cast %add3A_115 : i32 to index
      %get3A_117 = tpu.vector_load %arg6[%get3A_116] {strides = array<i32>} : memref<32768xf32, #tpu.memory_space<vmem>>, vector<16xf32>,
      %neg3A_118 = arith.constant 0.000000e+00 : f32
      %neg3A_119 = vector.broadcast %neg3A_118 : f32 to vector<16xf32>
      %neg3A_120 = arith.subf %neg3A_119, %get3A_117 : vector<16xf32>
      %add3A_121 = arith.constant 112 : i32
      %add3A_122 = arith.addi %mul3A_38, %add3A_121 : i32
      %get3A_123 = arith.index_cast %add3A_122 : i32 to index
      %get3A_124 = tpu.vector_load %arg7[%get3A_123] {strides = array<i32>} : memref<32768xf32, #tpu.memory_space<vmem>>, vector<16xf32>,
      %masked_sort3A = arith.constant dense<true> : vector<16xi1>
      %masked_sort3A_125, %masked_sort3A_126, %masked_sort3A_127 = tpu.sort %neg3A_43, %get3A_47 masked %masked_sort3A : (vector<16xf32>, vector<16xf32>, vector<16xi1>) -> (vector<16xi1>, vector<16xf32>, vector<16xf32>)
      %rev3A = arith.constant 15 : i32
      %rev3A_128 = vector.broadcast %rev3A : i32 to vector<16xi32>
      %rev3A_129 = tpu.iota {dimensions = array<i32: 0>} : vector<16xi32>
      %rev3A_130 = arith.subi %rev3A_128, %rev3A_129 : vector<16xi32>
      %rev3A_131 = tpu.dynamic_gather %masked_sort3A_126[%rev3A_130] in [0] : vector<16xf32>, vector<16xi32> -> vector<16xf32>
      %rev3A_132 = arith.constant 15 : i32
      %rev3A_133 = vector.broadcast %rev3A_132 : i32 to vector<16xi32>
      %rev3A_134 = tpu.iota {dimensions = array<i32: 0>} : vector<16xi32>
      %rev3A_135 = arith.subi %rev3A_133, %rev3A_134 : vector<16xi32>
      %rev3A_136 = tpu.dynamic_gather %masked_sort3A_127[%rev3A_135] in [0] : vector<16xf32>, vector<16xi32> -> vector<16xf32>
      %masked_sort3A_137 = arith.constant dense<true> : vector<16xi1>
      %masked_sort3A_138, %masked_sort3A_139, %masked_sort3A_140 = tpu.sort %neg3A_54, %get3A_58 masked %masked_sort3A_137 : (vector<16xf32>, vector<16xf32>, vector<16xi1>) -> (vector<16xi1>, vector<16xf32>, vector<16xf32>)
      %gt3A = arith.cmpf ogt, %rev3A_131, %masked_sort3A_139 : vector<16xf32>
      %select_n3A = arith.select %gt3A, %masked_sort3A_139, %rev3A_131 : vector<16xi1>, vector<16xf32>
      %select_n3A_141 = arith.select %gt3A, %masked_sort3A_140, %rev3A_136 : vector<16xi1>, vector<16xf32>
      %select_n3A_142 = arith.select %gt3A, %rev3A_131, %masked_sort3A_139 : vector<16xi1>, vector<16xf32>
      %select_n3A_143 = arith.select %gt3A, %rev3A_136, %masked_sort3A_140 : vector<16xi1>, vector<16xf32>
      %masked_sort3A_144 = arith.constant dense<true> : vector<16xi1>
      %masked_sort3A_145, %masked_sort3A_146, %masked_sort3A_147 = tpu.sort %select_n3A, %select_n3A_141 masked %masked_sort3A_144 : (vector<16xf32>, vector<16xf32>, vector<16xi1>) -> (vector<16xi1>, vector<16xf32>, vector<16xf32>)
      %masked_sort3A_148 = arith.constant dense<true> : vector<16xi1>
      %masked_sort3A_149, %masked_sort3A_150, %masked_sort3A_151 = tpu.sort %select_n3A_142, %select_n3A_143 masked %masked_sort3A_148 : (vector<16xf32>, vector<16xf32>, vector<16xi1>) -> (vector<16xi1>, vector<16xf32>, vector<16xf32>)
      %masked_sort3A_152 = arith.constant dense<true> : vector<16xi1>
      %masked_sort3A_153, %masked_sort3A_154, %masked_sort3A_155 = tpu.sort %neg3A_65, %get3A_69 masked %masked_sort3A_152 : (vector<16xf32>, vector<16xf32>, vector<16xi1>) -> (vector<16xi1>, vector<16xf32>, vector<16xf32>)
      %masked_sort3A_156 = arith.constant dense<true> : vector<16xi1>
      %masked_sort3A_157, %masked_sort3A_158, %masked_sort3A_159 = tpu.sort %neg3A_76, %get3A_80 masked %masked_sort3A_156 : (vector<16xf32>, vector<16xf32>, vector<16xi1>) -> (vector<16xi1>, vector<16xf32>, vector<16xf32>)
      %rev3A_160 = arith.constant 15 : i32
      %rev3A_161 = vector.broadcast %rev3A_160 : i32 to vector<16xi32>
      %rev3A_162 = tpu.iota {dimensions = array<i32: 0>} : vector<16xi32>
      %rev3A_163 = arith.subi %rev3A_161, %rev3A_162 : vector<16xi32>
      %rev3A_164 = tpu.dynamic_gather %masked_sort3A_158[%rev3A_163] in [0] : vector<16xf32>, vector<16xi32> -> vector<16xf32>
      %rev3A_165 = arith.constant 15 : i32
      %rev3A_166 = vector.broadcast %rev3A_165 : i32 to vector<16xi32>
      %rev3A_167 = tpu.iota {dimensions = array<i32: 0>} : vector<16xi32>
      %rev3A_168 = arith.subi %rev3A_166, %rev3A_167 : vector<16xi32>
      %rev3A_169 = tpu.dynamic_gather %masked_sort3A_159[%rev3A_168] in [0] : vector<16xf32>, vector<16xi32> -> vector<16xf32>
      %lt3A = arith.cmpf olt, %masked_sort3A_154, %rev3A_164 : vector<16xf32>
      %select_n3A_170 = arith.select %lt3A, %rev3A_164, %masked_sort3A_154 : vector<16xi1>, vector<16xf32>
      %select_n3A_171 = arith.select %lt3A, %rev3A_169, %masked_sort3A_155 : vector<16xi1>, vector<16xf32>
      %select_n3A_172 = arith.select %lt3A, %masked_sort3A_154, %rev3A_164 : vector<16xi1>, vector<16xf32>
      %select_n3A_173 = arith.select %lt3A, %masked_sort3A_155, %rev3A_169 : vector<16xi1>, vector<16xf32>
      %masked_sort3A_174 = arith.constant dense<true> : vector<16xi1>
      %masked_sort3A_175, %masked_sort3A_176, %masked_sort3A_177 = tpu.sort %select_n3A_170, %select_n3A_171 masked %masked_sort3A_174 : (vector<16xf32>, vector<16xf32>, vector<16xi1>) -> (vector<16xi1>, vector<16xf32>, vector<16xf32>)
      %rev3A_178 = arith.constant 15 : i32
      %rev3A_179 = vector.broadcast %rev3A_178 : i32 to vector<16xi32>
      %rev3A_180 = tpu.iota {dimensions = array<i32: 0>} : vector<16xi32>
      %rev3A_181 = arith.subi %rev3A_179, %rev3A_180 : vector<16xi32>
      %rev3A_182 = tpu.dynamic_gather %masked_sort3A_176[%rev3A_181] in [0] : vector<16xf32>, vector<16xi32> -> vector<16xf32>
      %rev3A_183 = arith.constant 15 : i32
      %rev3A_184 = vector.broadcast %rev3A_183 : i32 to vector<16xi32>
      %rev3A_185 = tpu.iota {dimensions = array<i32: 0>} : vector<16xi32>
      %rev3A_186 = arith.subi %rev3A_184, %rev3A_185 : vector<16xi32>
      %rev3A_187 = tpu.dynamic_gather %masked_sort3A_177[%rev3A_186] in [0] : vector<16xf32>, vector<16xi32> -> vector<16xf32>
      %masked_sort3A_188 = arith.constant dense<true> : vector<16xi1>
      %masked_sort3A_189, %masked_sort3A_190, %masked_sort3A_191 = tpu.sort %select_n3A_172, %select_n3A_173 masked %masked_sort3A_188 : (vector<16xf32>, vector<16xf32>, vector<16xi1>) -> (vector<16xi1>, vector<16xf32>, vector<16xf32>)
      %rev3A_192 = arith.constant 15 : i32
      %rev3A_193 = vector.broadcast %rev3A_192 : i32 to vector<16xi32>
      %rev3A_194 = tpu.iota {dimensions = array<i32: 0>} : vector<16xi32>
      %rev3A_195 = arith.subi %rev3A_193, %rev3A_194 : vector<16xi32>
      %rev3A_196 = tpu.dynamic_gather %masked_sort3A_190[%rev3A_195] in [0] : vector<16xf32>, vector<16xi32> -> vector<16xf32>
      %rev3A_197 = arith.constant 15 : i32
      %rev3A_198 = vector.broadcast %rev3A_197 : i32 to vector<16xi32>
      %rev3A_199 = tpu.iota {dimensions = array<i32: 0>} : vector<16xi32>
      %rev3A_200 = arith.subi %rev3A_198, %rev3A_199 : vector<16xi32>
      %rev3A_201 = tpu.dynamic_gather %masked_sort3A_191[%rev3A_200] in [0] : vector<16xf32>, vector<16xi32> -> vector<16xf32>
      %lt3A_202 = arith.cmpf olt, %masked_sort3A_146, %rev3A_182 : vector<16xf32>
      %select_n3A_203 = arith.select %lt3A_202, %rev3A_182, %masked_sort3A_146 : vector<16xi1>, vector<16xf32>
      %select_n3A_204 = arith.select %lt3A_202, %rev3A_187, %masked_sort3A_147 : vector<16xi1>, vector<16xf32>
      %select_n3A_205 = arith.select %lt3A_202, %masked_sort3A_146, %rev3A_182 : vector<16xi1>, vector<16xf32>
      %select_n3A_206 = arith.select %lt3A_202, %masked_sort3A_147, %rev3A_187 : vector<16xi1>, vector<16xf32>
      %lt3A_207 = arith.cmpf olt, %masked_sort3A_150, %rev3A_196 : vector<16xf32>
      %select_n3A_208 = arith.select %lt3A_207, %rev3A_196, %masked_sort3A_150 : vector<16xi1>, vector<16xf32>
      %select_n3A_209 = arith.select %lt3A_207, %rev3A_201, %masked_sort3A_151 : vector<16xi1>, vector<16xf32>
      %select_n3A_210 = arith.select %lt3A_207, %masked_sort3A_150, %rev3A_196 : vector<16xi1>, vector<16xf32>
      %select_n3A_211 = arith.select %lt3A_207, %masked_sort3A_151, %rev3A_201 : vector<16xi1>, vector<16xf32>
      %lt3A_212 = arith.cmpf olt, %select_n3A_203, %select_n3A_208 : vector<16xf32>
      %select_n3A_213 = arith.select %lt3A_212, %select_n3A_208, %select_n3A_203 : vector<16xi1>, vector<16xf32>
      %select_n3A_214 = arith.select %lt3A_212, %select_n3A_209, %select_n3A_204 : vector<16xi1>, vector<16xf32>
      %select_n3A_215 = arith.select %lt3A_212, %select_n3A_203, %select_n3A_208 : vector<16xi1>, vector<16xf32>
      %select_n3A_216 = arith.select %lt3A_212, %select_n3A_204, %select_n3A_209 : vector<16xi1>, vector<16xf32>
      %masked_sort3A_217 = arith.constant dense<true> : vector<16xi1>
      %masked_sort3A_218, %masked_sort3A_219, %masked_sort3A_220 = tpu.sort %select_n3A_213, %select_n3A_214 masked %masked_sort3A_217 : (vector<16xf32>, vector<16xf32>, vector<16xi1>) -> (vector<16xi1>, vector<16xf32>, vector<16xf32>)
      %rev3A_221 = arith.constant 15 : i32
      %rev3A_222 = vector.broadcast %rev3A_221 : i32 to vector<16xi32>
      %rev3A_223 = tpu.iota {dimensions = array<i32: 0>} : vector<16xi32>
      %rev3A_224 = arith.subi %rev3A_222, %rev3A_223 : vector<16xi32>
      %rev3A_225 = tpu.dynamic_gather %masked_sort3A_219[%rev3A_224] in [0] : vector<16xf32>, vector<16xi32> -> vector<16xf32>
      %rev3A_226 = arith.constant 15 : i32
      %rev3A_227 = vector.broadcast %rev3A_226 : i32 to vector<16xi32>
      %rev3A_228 = tpu.iota {dimensions = array<i32: 0>} : vector<16xi32>
      %rev3A_229 = arith.subi %rev3A_227, %rev3A_228 : vector<16xi32>
      %rev3A_230 = tpu.dynamic_gather %masked_sort3A_220[%rev3A_229] in [0] : vector<16xf32>, vector<16xi32> -> vector<16xf32>
      %masked_sort3A_231 = arith.constant dense<true> : vector<16xi1>
      %masked_sort3A_232, %masked_sort3A_233, %masked_sort3A_234 = tpu.sort %select_n3A_215, %select_n3A_216 masked %masked_sort3A_231 : (vector<16xf32>, vector<16xf32>, vector<16xi1>) -> (vector<16xi1>, vector<16xf32>, vector<16xf32>)
      %rev3A_235 = arith.constant 15 : i32
      %rev3A_236 = vector.broadcast %rev3A_235 : i32 to vector<16xi32>
      %rev3A_237 = tpu.iota {dimensions = array<i32: 0>} : vector<16xi32>
      %rev3A_238 = arith.subi %rev3A_236, %rev3A_237 : vector<16xi32>
      %rev3A_239 = tpu.dynamic_gather %masked_sort3A_233[%rev3A_238] in [0] : vector<16xf32>, vector<16xi32> -> vector<16xf32>
      %rev3A_240 = arith.constant 15 : i32
      %rev3A_241 = vector.broadcast %rev3A_240 : i32 to vector<16xi32>
      %rev3A_242 = tpu.iota {dimensions = array<i32: 0>} : vector<16xi32>
      %rev3A_243 = arith.subi %rev3A_241, %rev3A_242 : vector<16xi32>
      %rev3A_244 = tpu.dynamic_gather %masked_sort3A_234[%rev3A_243] in [0] : vector<16xf32>, vector<16xi32> -> vector<16xf32>
      %lt3A_245 = arith.cmpf olt, %select_n3A_205, %select_n3A_210 : vector<16xf32>
      %select_n3A_246 = arith.select %lt3A_245, %select_n3A_210, %select_n3A_205 : vector<16xi1>, vector<16xf32>
      %select_n3A_247 = arith.select %lt3A_245, %select_n3A_211, %select_n3A_206 : vector<16xi1>, vector<16xf32>
      %select_n3A_248 = arith.select %lt3A_245, %select_n3A_205, %select_n3A_210 : vector<16xi1>, vector<16xf32>
      %select_n3A_249 = arith.select %lt3A_245, %select_n3A_206, %select_n3A_211 : vector<16xi1>, vector<16xf32>
      %masked_sort3A_250 = arith.constant dense<true> : vector<16xi1>
      %masked_sort3A_251, %masked_sort3A_252, %masked_sort3A_253 = tpu.sort %select_n3A_246, %select_n3A_247 masked %masked_sort3A_250 : (vector<16xf32>, vector<16xf32>, vector<16xi1>) -> (vector<16xi1>, vector<16xf32>, vector<16xf32>)
      %rev3A_254 = arith.constant 15 : i32
      %rev3A_255 = vector.broadcast %rev3A_254 : i32 to vector<16xi32>
      %rev3A_256 = tpu.iota {dimensions = array<i32: 0>} : vector<16xi32>
      %rev3A_257 = arith.subi %rev3A_255, %rev3A_256 : vector<16xi32>
      %rev3A_258 = tpu.dynamic_gather %masked_sort3A_252[%rev3A_257] in [0] : vector<16xf32>, vector<16xi32> -> vector<16xf32>
      %rev3A_259 = arith.constant 15 : i32
      %rev3A_260 = vector.broadcast %rev3A_259 : i32 to vector<16xi32>
      %rev3A_261 = tpu.iota {dimensions = array<i32: 0>} : vector<16xi32>
      %rev3A_262 = arith.subi %rev3A_260, %rev3A_261 : vector<16xi32>
      %rev3A_263 = tpu.dynamic_gather %masked_sort3A_253[%rev3A_262] in [0] : vector<16xf32>, vector<16xi32> -> vector<16xf32>
      %masked_sort3A_264 = arith.constant dense<true> : vector<16xi1>
      %masked_sort3A_265, %masked_sort3A_266, %masked_sort3A_267 = tpu.sort %select_n3A_248, %select_n3A_249 masked %masked_sort3A_264 : (vector<16xf32>, vector<16xf32>, vector<16xi1>) -> (vector<16xi1>, vector<16xf32>, vector<16xf32>)
      %rev3A_268 = arith.constant 15 : i32
      %rev3A_269 = vector.broadcast %rev3A_268 : i32 to vector<16xi32>
      %rev3A_270 = tpu.iota {dimensions = array<i32: 0>} : vector<16xi32>
      %rev3A_271 = arith.subi %rev3A_269, %rev3A_270 : vector<16xi32>
      %rev3A_272 = tpu.dynamic_gather %masked_sort3A_266[%rev3A_271] in [0] : vector<16xf32>, vector<16xi32> -> vector<16xf32>
      %rev3A_273 = arith.constant 15 : i32
      %rev3A_274 = vector.broadcast %rev3A_273 : i32 to vector<16xi32>
      %rev3A_275 = tpu.iota {dimensions = array<i32: 0>} : vector<16xi32>
      %rev3A_276 = arith.subi %rev3A_274, %rev3A_275 : vector<16xi32>
      %rev3A_277 = tpu.dynamic_gather %masked_sort3A_267[%rev3A_276] in [0] : vector<16xf32>, vector<16xi32> -> vector<16xf32>
      %masked_sort3A_278 = arith.constant dense<true> : vector<16xi1>
      %masked_sort3A_279, %masked_sort3A_280, %masked_sort3A_281 = tpu.sort %neg3A_87, %get3A_91 masked %masked_sort3A_278 : (vector<16xf32>, vector<16xf32>, vector<16xi1>) -> (vector<16xi1>, vector<16xf32>, vector<16xf32>)
      %masked_sort3A_282 = arith.constant dense<true> : vector<16xi1>
      %masked_sort3A_283, %masked_sort3A_284, %masked_sort3A_285 = tpu.sort %neg3A_98, %get3A_102 masked %masked_sort3A_282 : (vector<16xf32>, vector<16xf32>, vector<16xi1>) -> (vector<16xi1>, vector<16xf32>, vector<16xf32>)
      %rev3A_286 = arith.constant 15 : i32
      %rev3A_287 = vector.broadcast %rev3A_286 : i32 to vector<16xi32>
      %rev3A_288 = tpu.iota {dimensions = array<i32: 0>} : vector<16xi32>
      %rev3A_289 = arith.subi %rev3A_287, %rev3A_288 : vector<16xi32>
      %rev3A_290 = tpu.dynamic_gather %masked_sort3A_284[%rev3A_289] in [0] : vector<16xf32>, vector<16xi32> -> vector<16xf32>
      %rev3A_291 = arith.constant 15 : i32
      %rev3A_292 = vector.broadcast %rev3A_291 : i32 to vector<16xi32>
      %rev3A_293 = tpu.iota {dimensions = array<i32: 0>} : vector<16xi32>
      %rev3A_294 = arith.subi %rev3A_292, %rev3A_293 : vector<16xi32>
      %rev3A_295 = tpu.dynamic_gather %masked_sort3A_285[%rev3A_294] in [0] : vector<16xf32>, vector<16xi32> -> vector<16xf32>
      %lt3A_296 = arith.cmpf olt, %masked_sort3A_280, %rev3A_290 : vector<16xf32>
      %select_n3A_297 = arith.select %lt3A_296, %rev3A_290, %masked_sort3A_280 : vector<16xi1>, vector<16xf32>
      %select_n3A_298 = arith.select %lt3A_296, %rev3A_295, %masked_sort3A_281 : vector<16xi1>, vector<16xf32>
      %select_n3A_299 = arith.select %lt3A_296, %masked_sort3A_280, %rev3A_290 : vector<16xi1>, vector<16xf32>
      %select_n3A_300 = arith.select %lt3A_296, %masked_sort3A_281, %rev3A_295 : vector<16xi1>, vector<16xf32>
      %masked_sort3A_301 = arith.constant dense<true> : vector<16xi1>
      %masked_sort3A_302, %masked_sort3A_303, %masked_sort3A_304 = tpu.sort %select_n3A_297, %select_n3A_298 masked %masked_sort3A_301 : (vector<16xf32>, vector<16xf32>, vector<16xi1>) -> (vector<16xi1>, vector<16xf32>, vector<16xf32>)
      %rev3A_305 = arith.constant 15 : i32
      %rev3A_306 = vector.broadcast %rev3A_305 : i32 to vector<16xi32>
      %rev3A_307 = tpu.iota {dimensions = array<i32: 0>} : vector<16xi32>
      %rev3A_308 = arith.subi %rev3A_306, %rev3A_307 : vector<16xi32>
      %rev3A_309 = tpu.dynamic_gather %masked_sort3A_303[%rev3A_308] in [0] : vector<16xf32>, vector<16xi32> -> vector<16xf32>
      %rev3A_310 = arith.constant 15 : i32
      %rev3A_311 = vector.broadcast %rev3A_310 : i32 to vector<16xi32>
      %rev3A_312 = tpu.iota {dimensions = array<i32: 0>} : vector<16xi32>
      %rev3A_313 = arith.subi %rev3A_311, %rev3A_312 : vector<16xi32>
      %rev3A_314 = tpu.dynamic_gather %masked_sort3A_304[%rev3A_313] in [0] : vector<16xf32>, vector<16xi32> -> vector<16xf32>
      %masked_sort3A_315 = arith.constant dense<true> : vector<16xi1>
      %masked_sort3A_316, %masked_sort3A_317, %masked_sort3A_318 = tpu.sort %select_n3A_299, %select_n3A_300 masked %masked_sort3A_315 : (vector<16xf32>, vector<16xf32>, vector<16xi1>) -> (vector<16xi1>, vector<16xf32>, vector<16xf32>)
      %rev3A_319 = arith.constant 15 : i32
      %rev3A_320 = vector.broadcast %rev3A_319 : i32 to vector<16xi32>
      %rev3A_321 = tpu.iota {dimensions = array<i32: 0>} : vector<16xi32>
      %rev3A_322 = arith.subi %rev3A_320, %rev3A_321 : vector<16xi32>
      %rev3A_323 = tpu.dynamic_gather %masked_sort3A_317[%rev3A_322] in [0] : vector<16xf32>, vector<16xi32> -> vector<16xf32>
      %rev3A_324 = arith.constant 15 : i32
      %rev3A_325 = vector.broadcast %rev3A_324 : i32 to vector<16xi32>
      %rev3A_326 = tpu.iota {dimensions = array<i32: 0>} : vector<16xi32>
      %rev3A_327 = arith.subi %rev3A_325, %rev3A_326 : vector<16xi32>
      %rev3A_328 = tpu.dynamic_gather %masked_sort3A_318[%rev3A_327] in [0] : vector<16xf32>, vector<16xi32> -> vector<16xf32>
      %masked_sort3A_329 = arith.constant dense<true> : vector<16xi1>
      %masked_sort3A_330, %masked_sort3A_331, %masked_sort3A_332 = tpu.sort %neg3A_109, %get3A_113 masked %masked_sort3A_329 : (vector<16xf32>, vector<16xf32>, vector<16xi1>) -> (vector<16xi1>, vector<16xf32>, vector<16xf32>)
      %rev3A_333 = arith.constant 15 : i32
      %rev3A_334 = vector.broadcast %rev3A_333 : i32 to vector<16xi32>
      %rev3A_335 = tpu.iota {dimensions = array<i32: 0>} : vector<16xi32>
      %rev3A_336 = arith.subi %rev3A_334, %rev3A_335 : vector<16xi32>
      %rev3A_337 = tpu.dynamic_gather %masked_sort3A_331[%rev3A_336] in [0] : vector<16xf32>, vector<16xi32> -> vector<16xf32>
      %rev3A_338 = arith.constant 15 : i32
      %rev3A_339 = vector.broadcast %rev3A_338 : i32 to vector<16xi32>
      %rev3A_340 = tpu.iota {dimensions = array<i32: 0>} : vector<16xi32>
      %rev3A_341 = arith.subi %rev3A_339, %rev3A_340 : vector<16xi32>
      %rev3A_342 = tpu.dynamic_gather %masked_sort3A_332[%rev3A_341] in [0] : vector<16xf32>, vector<16xi32> -> vector<16xf32>
      %masked_sort3A_343 = arith.constant dense<true> : vector<16xi1>
      %masked_sort3A_344, %masked_sort3A_345, %masked_sort3A_346 = tpu.sort %neg3A_120, %get3A_124 masked %masked_sort3A_343 : (vector<16xf32>, vector<16xf32>, vector<16xi1>) -> (vector<16xi1>, vector<16xf32>, vector<16xf32>)
      %gt3A_347 = arith.cmpf ogt, %rev3A_337, %masked_sort3A_345 : vector<16xf32>
      %select_n3A_348 = arith.select %gt3A_347, %masked_sort3A_345, %rev3A_337 : vector<16xi1>, vector<16xf32>
      %select_n3A_349 = arith.select %gt3A_347, %masked_sort3A_346, %rev3A_342 : vector<16xi1>, vector<16xf32>
      %select_n3A_350 = arith.select %gt3A_347, %rev3A_337, %masked_sort3A_345 : vector<16xi1>, vector<16xf32>
      %select_n3A_351 = arith.select %gt3A_347, %rev3A_342, %masked_sort3A_346 : vector<16xi1>, vector<16xf32>
      %masked_sort3A_352 = arith.constant dense<true> : vector<16xi1>
      %masked_sort3A_353, %masked_sort3A_354, %masked_sort3A_355 = tpu.sort %select_n3A_348, %select_n3A_349 masked %masked_sort3A_352 : (vector<16xf32>, vector<16xf32>, vector<16xi1>) -> (vector<16xi1>, vector<16xf32>, vector<16xf32>)
      %masked_sort3A_356 = arith.constant dense<true> : vector<16xi1>
      %masked_sort3A_357, %masked_sort3A_358, %masked_sort3A_359 = tpu.sort %select_n3A_350, %select_n3A_351 masked %masked_sort3A_356 : (vector<16xf32>, vector<16xf32>, vector<16xi1>) -> (vector<16xi1>, vector<16xf32>, vector<16xf32>)
      %gt3A_360 = arith.cmpf ogt, %rev3A_309, %masked_sort3A_354 : vector<16xf32>
      %select_n3A_361 = arith.select %gt3A_360, %masked_sort3A_354, %rev3A_309 : vector<16xi1>, vector<16xf32>
      %select_n3A_362 = arith.select %gt3A_360, %masked_sort3A_355, %rev3A_314 : vector<16xi1>, vector<16xf32>
      %select_n3A_363 = arith.select %gt3A_360, %rev3A_309, %masked_sort3A_354 : vector<16xi1>, vector<16xf32>
      %select_n3A_364 = arith.select %gt3A_360, %rev3A_314, %masked_sort3A_355 : vector<16xi1>, vector<16xf32>
      %gt3A_365 = arith.cmpf ogt, %rev3A_323, %masked_sort3A_358 : vector<16xf32>
      %select_n3A_366 = arith.select %gt3A_365, %masked_sort3A_358, %rev3A_323 : vector<16xi1>, vector<16xf32>
      %select_n3A_367 = arith.select %gt3A_365, %masked_sort3A_359, %rev3A_328 : vector<16xi1>, vector<16xf32>
      %select_n3A_368 = arith.select %gt3A_365, %rev3A_323, %masked_sort3A_358 : vector<16xi1>, vector<16xf32>
      %select_n3A_369 = arith.select %gt3A_365, %rev3A_328, %masked_sort3A_359 : vector<16xi1>, vector<16xf32>
      %gt3A_370 = arith.cmpf ogt, %select_n3A_361, %select_n3A_366 : vector<16xf32>
      %select_n3A_371 = arith.select %gt3A_370, %select_n3A_366, %select_n3A_361 : vector<16xi1>, vector<16xf32>
      %select_n3A_372 = arith.select %gt3A_370, %select_n3A_367, %select_n3A_362 : vector<16xi1>, vector<16xf32>
      %select_n3A_373 = arith.select %gt3A_370, %select_n3A_361, %select_n3A_366 : vector<16xi1>, vector<16xf32>
      %select_n3A_374 = arith.select %gt3A_370, %select_n3A_362, %select_n3A_367 : vector<16xi1>, vector<16xf32>
      %masked_sort3A_375 = arith.constant dense<true> : vector<16xi1>
      %masked_sort3A_376, %masked_sort3A_377, %masked_sort3A_378 = tpu.sort %select_n3A_371, %select_n3A_372 masked %masked_sort3A_375 : (vector<16xf32>, vector<16xf32>, vector<16xi1>) -> (vector<16xi1>, vector<16xf32>, vector<16xf32>)
      %masked_sort3A_379 = arith.constant dense<true> : vector<16xi1>
      %masked_sort3A_380, %masked_sort3A_381, %masked_sort3A_382 = tpu.sort %select_n3A_373, %select_n3A_374 masked %masked_sort3A_379 : (vector<16xf32>, vector<16xf32>, vector<16xi1>) -> (vector<16xi1>, vector<16xf32>, vector<16xf32>)
      %gt3A_383 = arith.cmpf ogt, %select_n3A_363, %select_n3A_368 : vector<16xf32>
      %select_n3A_384 = arith.select %gt3A_383, %select_n3A_368, %select_n3A_363 : vector<16xi1>, vector<16xf32>
      %select_n3A_385 = arith.select %gt3A_383, %select_n3A_369, %select_n3A_364 : vector<16xi1>, vector<16xf32>
      %select_n3A_386 = arith.select %gt3A_383, %select_n3A_363, %select_n3A_368 : vector<16xi1>, vector<16xf32>
      %select_n3A_387 = arith.select %gt3A_383, %select_n3A_364, %select_n3A_369 : vector<16xi1>, vector<16xf32>
      %masked_sort3A_388 = arith.constant dense<true> : vector<16xi1>
      %masked_sort3A_389, %masked_sort3A_390, %masked_sort3A_391 = tpu.sort %select_n3A_384, %select_n3A_385 masked %masked_sort3A_388 : (vector<16xf32>, vector<16xf32>, vector<16xi1>) -> (vector<16xi1>, vector<16xf32>, vector<16xf32>)
      %masked_sort3A_392 = arith.constant dense<true> : vector<16xi1>
      %masked_sort3A_393, %masked_sort3A_394, %masked_sort3A_395 = tpu.sort %select_n3A_386, %select_n3A_387 masked %masked_sort3A_392 : (vector<16xf32>, vector<16xf32>, vector<16xi1>) -> (vector<16xi1>, vector<16xf32>, vector<16xf32>)
      %gt3A_396 = arith.cmpf ogt, %rev3A_225, %masked_sort3A_377 : vector<16xf32>
      %select_n3A_397 = arith.select %gt3A_396, %masked_sort3A_377, %rev3A_225 : vector<16xi1>, vector<16xf32>
      %select_n3A_398 = arith.select %gt3A_396, %masked_sort3A_378, %rev3A_230 : vector<16xi1>, vector<16xf32>
      %select_n3A_399 = arith.select %gt3A_396, %rev3A_225, %masked_sort3A_377 : vector<16xi1>, vector<16xf32>
      %select_n3A_400 = arith.select %gt3A_396, %rev3A_230, %masked_sort3A_378 : vector<16xi1>, vector<16xf32>
      %gt3A_401 = arith.cmpf ogt, %rev3A_239, %masked_sort3A_381 : vector<16xf32>
      %select_n3A_402 = arith.select %gt3A_401, %masked_sort3A_381, %rev3A_239 : vector<16xi1>, vector<16xf32>
      %select_n3A_403 = arith.select %gt3A_401, %masked_sort3A_382, %rev3A_244 : vector<16xi1>, vector<16xf32>
      %select_n3A_404 = arith.select %gt3A_401, %rev3A_239, %masked_sort3A_381 : vector<16xi1>, vector<16xf32>
      %select_n3A_405 = arith.select %gt3A_401, %rev3A_244, %masked_sort3A_382 : vector<16xi1>, vector<16xf32>
      %gt3A_406 = arith.cmpf ogt, %rev3A_258, %masked_sort3A_390 : vector<16xf32>
      %select_n3A_407 = arith.select %gt3A_406, %masked_sort3A_390, %rev3A_258 : vector<16xi1>, vector<16xf32>
      %select_n3A_408 = arith.select %gt3A_406, %masked_sort3A_391, %rev3A_263 : vector<16xi1>, vector<16xf32>
      %select_n3A_409 = arith.select %gt3A_406, %rev3A_258, %masked_sort3A_390 : vector<16xi1>, vector<16xf32>
      %select_n3A_410 = arith.select %gt3A_406, %rev3A_263, %masked_sort3A_391 : vector<16xi1>, vector<16xf32>
      %gt3A_411 = arith.cmpf ogt, %rev3A_272, %masked_sort3A_394 : vector<16xf32>
      %select_n3A_412 = arith.select %gt3A_411, %masked_sort3A_394, %rev3A_272 : vector<16xi1>, vector<16xf32>
      %select_n3A_413 = arith.select %gt3A_411, %masked_sort3A_395, %rev3A_277 : vector<16xi1>, vector<16xf32>
      %select_n3A_414 = arith.select %gt3A_411, %rev3A_272, %masked_sort3A_394 : vector<16xi1>, vector<16xf32>
      %select_n3A_415 = arith.select %gt3A_411, %rev3A_277, %masked_sort3A_395 : vector<16xi1>, vector<16xf32>
      %gt3A_416 = arith.cmpf ogt, %select_n3A_397, %select_n3A_407 : vector<16xf32>
      %select_n3A_417 = arith.select %gt3A_416, %select_n3A_407, %select_n3A_397 : vector<16xi1>, vector<16xf32>
      %select_n3A_418 = arith.select %gt3A_416, %select_n3A_408, %select_n3A_398 : vector<16xi1>, vector<16xf32>
      %select_n3A_419 = arith.select %gt3A_416, %select_n3A_397, %select_n3A_407 : vector<16xi1>, vector<16xf32>
      %select_n3A_420 = arith.select %gt3A_416, %select_n3A_398, %select_n3A_408 : vector<16xi1>, vector<16xf32>
      %gt3A_421 = arith.cmpf ogt, %select_n3A_402, %select_n3A_412 : vector<16xf32>
      %select_n3A_422 = arith.select %gt3A_421, %select_n3A_412, %select_n3A_402 : vector<16xi1>, vector<16xf32>
      %select_n3A_423 = arith.select %gt3A_421, %select_n3A_413, %select_n3A_403 : vector<16xi1>, vector<16xf32>
      %select_n3A_424 = arith.select %gt3A_421, %select_n3A_402, %select_n3A_412 : vector<16xi1>, vector<16xf32>
      %select_n3A_425 = arith.select %gt3A_421, %select_n3A_403, %select_n3A_413 : vector<16xi1>, vector<16xf32>
      %gt3A_426 = arith.cmpf ogt, %select_n3A_417, %select_n3A_422 : vector<16xf32>
      %select_n3A_427 = arith.select %gt3A_426, %select_n3A_422, %select_n3A_417 : vector<16xi1>, vector<16xf32>
      %select_n3A_428 = arith.select %gt3A_426, %select_n3A_423, %select_n3A_418 : vector<16xi1>, vector<16xf32>
      %select_n3A_429 = arith.select %gt3A_426, %select_n3A_417, %select_n3A_422 : vector<16xi1>, vector<16xf32>
      %select_n3A_430 = arith.select %gt3A_426, %select_n3A_418, %select_n3A_423 : vector<16xi1>, vector<16xf32>
      %masked_sort3A_431 = arith.constant dense<true> : vector<16xi1>
      %masked_sort3A_432, %masked_sort3A_433, %masked_sort3A_434 = tpu.sort %select_n3A_427, %select_n3A_428 masked %masked_sort3A_431 : (vector<16xf32>, vector<16xf32>, vector<16xi1>) -> (vector<16xi1>, vector<16xf32>, vector<16xf32>)
      %masked_sort3A_435 = arith.constant dense<true> : vector<16xi1>
      %masked_sort3A_436, %masked_sort3A_437, %masked_sort3A_438 = tpu.sort %select_n3A_429, %select_n3A_430 masked %masked_sort3A_435 : (vector<16xf32>, vector<16xf32>, vector<16xi1>) -> (vector<16xi1>, vector<16xf32>, vector<16xf32>)
      %gt3A_439 = arith.cmpf ogt, %select_n3A_419, %select_n3A_424 : vector<16xf32>
      %select_n3A_440 = arith.select %gt3A_439, %select_n3A_424, %select_n3A_419 : vector<16xi1>, vector<16xf32>
      %select_n3A_441 = arith.select %gt3A_439, %select_n3A_425, %select_n3A_420 : vector<16xi1>, vector<16xf32>
      %select_n3A_442 = arith.select %gt3A_439, %select_n3A_419, %select_n3A_424 : vector<16xi1>, vector<16xf32>
      %select_n3A_443 = arith.select %gt3A_439, %select_n3A_420, %select_n3A_425 : vector<16xi1>, vector<16xf32>
      %masked_sort3A_444 = arith.constant dense<true> : vector<16xi1>
      %masked_sort3A_445, %masked_sort3A_446, %masked_sort3A_447 = tpu.sort %select_n3A_440, %select_n3A_441 masked %masked_sort3A_444 : (vector<16xf32>, vector<16xf32>, vector<16xi1>) -> (vector<16xi1>, vector<16xf32>, vector<16xf32>)
      %masked_sort3A_448 = arith.constant dense<true> : vector<16xi1>
      %masked_sort3A_449, %masked_sort3A_450, %masked_sort3A_451 = tpu.sort %select_n3A_442, %select_n3A_443 masked %masked_sort3A_448 : (vector<16xf32>, vector<16xf32>, vector<16xi1>) -> (vector<16xi1>, vector<16xf32>, vector<16xf32>)
      %gt3A_452 = arith.cmpf ogt, %select_n3A_399, %select_n3A_409 : vector<16xf32>
      %select_n3A_453 = arith.select %gt3A_452, %select_n3A_409, %select_n3A_399 : vector<16xi1>, vector<16xf32>
      %select_n3A_454 = arith.select %gt3A_452, %select_n3A_410, %select_n3A_400 : vector<16xi1>, vector<16xf32>
      %select_n3A_455 = arith.select %gt3A_452, %select_n3A_399, %select_n3A_409 : vector<16xi1>, vector<16xf32>
      %select_n3A_456 = arith.select %gt3A_452, %select_n3A_400, %select_n3A_410 : vector<16xi1>, vector<16xf32>
      %gt3A_457 = arith.cmpf ogt, %select_n3A_404, %select_n3A_414 : vector<16xf32>
      %select_n3A_458 = arith.select %gt3A_457, %select_n3A_414, %select_n3A_404 : vector<16xi1>, vector<16xf32>
      %select_n3A_459 = arith.select %gt3A_457, %select_n3A_415, %select_n3A_405 : vector<16xi1>, vector<16xf32>
      %select_n3A_460 = arith.select %gt3A_457, %select_n3A_404, %select_n3A_414 : vector<16xi1>, vector<16xf32>
      %select_n3A_461 = arith.select %gt3A_457, %select_n3A_405, %select_n3A_415 : vector<16xi1>, vector<16xf32>
      %gt3A_462 = arith.cmpf ogt, %select_n3A_453, %select_n3A_458 : vector<16xf32>
      %select_n3A_463 = arith.select %gt3A_462, %select_n3A_458, %select_n3A_453 : vector<16xi1>, vector<16xf32>
      %select_n3A_464 = arith.select %gt3A_462, %select_n3A_459, %select_n3A_454 : vector<16xi1>, vector<16xf32>
      %select_n3A_465 = arith.select %gt3A_462, %select_n3A_453, %select_n3A_458 : vector<16xi1>, vector<16xf32>
      %select_n3A_466 = arith.select %gt3A_462, %select_n3A_454, %select_n3A_459 : vector<16xi1>, vector<16xf32>
      %masked_sort3A_467 = arith.constant dense<true> : vector<16xi1>
      %masked_sort3A_468, %masked_sort3A_469, %masked_sort3A_470 = tpu.sort %select_n3A_463, %select_n3A_464 masked %masked_sort3A_467 : (vector<16xf32>, vector<16xf32>, vector<16xi1>) -> (vector<16xi1>, vector<16xf32>, vector<16xf32>)
      %masked_sort3A_471 = arith.constant dense<true> : vector<16xi1>
      %masked_sort3A_472, %masked_sort3A_473, %masked_sort3A_474 = tpu.sort %select_n3A_465, %select_n3A_466 masked %masked_sort3A_471 : (vector<16xf32>, vector<16xf32>, vector<16xi1>) -> (vector<16xi1>, vector<16xf32>, vector<16xf32>)
      %gt3A_475 = arith.cmpf ogt, %select_n3A_455, %select_n3A_460 : vector<16xf32>
      %select_n3A_476 = arith.select %gt3A_475, %select_n3A_460, %select_n3A_455 : vector<16xi1>, vector<16xf32>
      %select_n3A_477 = arith.select %gt3A_475, %select_n3A_461, %select_n3A_456 : vector<16xi1>, vector<16xf32>
      %select_n3A_478 = arith.select %gt3A_475, %select_n3A_455, %select_n3A_460 : vector<16xi1>, vector<16xf32>
      %select_n3A_479 = arith.select %gt3A_475, %select_n3A_456, %select_n3A_461 : vector<16xi1>, vector<16xf32>
      %masked_sort3A_480 = arith.constant dense<true> : vector<16xi1>
      %masked_sort3A_481, %masked_sort3A_482, %masked_sort3A_483 = tpu.sort %select_n3A_476, %select_n3A_477 masked %masked_sort3A_480 : (vector<16xf32>, vector<16xf32>, vector<16xi1>) -> (vector<16xi1>, vector<16xf32>, vector<16xf32>)
      %masked_sort3A_484 = arith.constant dense<true> : vector<16xi1>
      %masked_sort3A_485, %masked_sort3A_486, %masked_sort3A_487 = tpu.sort %select_n3A_478, %select_n3A_479 masked %masked_sort3A_484 : (vector<16xf32>, vector<16xf32>, vector<16xi1>) -> (vector<16xi1>, vector<16xf32>, vector<16xf32>)
      %add3A_488 = arith.constant 0 : i32
      %add3A_489 = arith.addi %mul3A_38, %add3A_488 : i32
      %swap3A = arith.index_cast %add3A_489 : i32 to index
      %swap3A_490 = tpu.vector_load %arg6[%swap3A] {strides = array<i32>} : memref<32768xf32, #tpu.memory_space<vmem>>, vector<16xf32>,
      tpu.vector_store %arg6[%swap3A], %masked_sort3A_433 {strides = array<i32>} : memref<32768xf32, #tpu.memory_space<vmem>>, vector<16xf32>,
      %add3A_491 = arith.constant 0 : i32
      %add3A_492 = arith.addi %mul3A_38, %add3A_491 : i32
      %swap3A_493 = arith.index_cast %add3A_492 : i32 to index
      %swap3A_494 = tpu.vector_load %arg7[%swap3A_493] {strides = array<i32>} : memref<32768xf32, #tpu.memory_space<vmem>>, vector<16xf32>,
      tpu.vector_store %arg7[%swap3A_493], %masked_sort3A_434 {strides = array<i32>} : memref<32768xf32, #tpu.memory_space<vmem>>, vector<16xf32>,
      %add3A_495 = arith.constant 16 : i32
      %add3A_496 = arith.addi %mul3A_38, %add3A_495 : i32
      %swap3A_497 = arith.index_cast %add3A_496 : i32 to index
      %swap3A_498 = tpu.vector_load %arg6[%swap3A_497] {strides = array<i32>} : memref<32768xf32, #tpu.memory_space<vmem>>, vector<16xf32>,
      tpu.vector_store %arg6[%swap3A_497], %masked_sort3A_437 {strides = array<i32>} : memref<32768xf32, #tpu.memory_space<vmem>>, vector<16xf32>,
      %add3A_499 = arith.constant 16 : i32
      %add3A_500 = arith.addi %mul3A_38, %add3A_499 : i32
      %swap3A_501 = arith.index_cast %add3A_500 : i32 to index
      %swap3A_502 = tpu.vector_load %arg7[%swap3A_501] {strides = array<i32>} : memref<32768xf32, #tpu.memory_space<vmem>>, vector<16xf32>,
      tpu.vector_store %arg7[%swap3A_501], %masked_sort3A_438 {strides = array<i32>} : memref<32768xf32, #tpu.memory_space<vmem>>, vector<16xf32>,
      %add3A_503 = arith.constant 32 : i32
      %add3A_504 = arith.addi %mul3A_38, %add3A_503 : i32
      %swap3A_505 = arith.index_cast %add3A_504 : i32 to index
      %swap3A_506 = tpu.vector_load %arg6[%swap3A_505] {strides = array<i32>} : memref<32768xf32, #tpu.memory_space<vmem>>, vector<16xf32>,
      tpu.vector_store %arg6[%swap3A_505], %masked_sort3A_446 {strides = array<i32>} : memref<32768xf32, #tpu.memory_space<vmem>>, vector<16xf32>,
      %add3A_507 = arith.constant 32 : i32
      %add3A_508 = arith.addi %mul3A_38, %add3A_507 : i32
      %swap3A_509 = arith.index_cast %add3A_508 : i32 to index
      %swap3A_510 = tpu.vector_load %arg7[%swap3A_509] {strides = array<i32>} : memref<32768xf32, #tpu.memory_space<vmem>>, vector<16xf32>,
      tpu.vector_store %arg7[%swap3A_509], %masked_sort3A_447 {strides = array<i32>} : memref<32768xf32, #tpu.memory_space<vmem>>, vector<16xf32>,
      %add3A_511 = arith.constant 48 : i32
      %add3A_512 = arith.addi %mul3A_38, %add3A_511 : i32
      %swap3A_513 = arith.index_cast %add3A_512 : i32 to index
      %swap3A_514 = tpu.vector_load %arg6[%swap3A_513] {strides = array<i32>} : memref<32768xf32, #tpu.memory_space<vmem>>, vector<16xf32>,
      tpu.vector_store %arg6[%swap3A_513], %masked_sort3A_450 {strides = array<i32>} : memref<32768xf32, #tpu.memory_space<vmem>>, vector<16xf32>,
      %add3A_515 = arith.constant 48 : i32
      %add3A_516 = arith.addi %mul3A_38, %add3A_515 : i32
      %swap3A_517 = arith.index_cast %add3A_516 : i32 to index
      %swap3A_518 = tpu.vector_load %arg7[%swap3A_517] {strides = array<i32>} : memref<32768xf32, #tpu.memory_space<vmem>>, vector<16xf32>,
      tpu.vector_store %arg7[%swap3A_517], %masked_sort3A_451 {strides = array<i32>} : memref<32768xf32, #tpu.memory_space<vmem>>, vector<16xf32>,
      %add3A_519 = arith.constant 64 : i32
      %add3A_520 = arith.addi %mul3A_38, %add3A_519 : i32
      %swap3A_521 = arith.index_cast %add3A_520 : i32 to index
      %swap3A_522 = tpu.vector_load %arg6[%swap3A_521] {strides = array<i32>} : memref<32768xf32, #tpu.memory_space<vmem>>, vector<16xf32>,
      tpu.vector_store %arg6[%swap3A_521], %masked_sort3A_469 {strides = array<i32>} : memref<32768xf32, #tpu.memory_space<vmem>>, vector<16xf32>,
      %add3A_523 = arith.constant 64 : i32
      %add3A_524 = arith.addi %mul3A_38, %add3A_523 : i32
      %swap3A_525 = arith.index_cast %add3A_524 : i32 to index
      %swap3A_526 = tpu.vector_load %arg7[%swap3A_525] {strides = array<i32>} : memref<32768xf32, #tpu.memory_space<vmem>>, vector<16xf32>,
      tpu.vector_store %arg7[%swap3A_525], %masked_sort3A_470 {strides = array<i32>} : memref<32768xf32, #tpu.memory_space<vmem>>, vector<16xf32>,
      %add3A_527 = arith.constant 80 : i32
      %add3A_528 = arith.addi %mul3A_38, %add3A_527 : i32
      %swap3A_529 = arith.index_cast %add3A_528 : i32 to index
      %swap3A_530 = tpu.vector_load %arg6[%swap3A_529] {strides = array<i32>} : memref<32768xf32, #tpu.memory_space<vmem>>, vector<16xf32>,
      tpu.vector_store %arg6[%swap3A_529], %masked_sort3A_473 {strides = array<i32>} : memref<32768xf32, #tpu.memory_space<vmem>>, vector<16xf32>,
      %add3A_531 = arith.constant 80 : i32
      %add3A_532 = arith.addi %mul3A_38, %add3A_531 : i32
      %swap3A_533 = arith.index_cast %add3A_532 : i32 to index
      %swap3A_534 = tpu.vector_load %arg7[%swap3A_533] {strides = array<i32>} : memref<32768xf32, #tpu.memory_space<vmem>>, vector<16xf32>,
      tpu.vector_store %arg7[%swap3A_533], %masked_sort3A_474 {strides = array<i32>} : memref<32768xf32, #tpu.memory_space<vmem>>, vector<16xf32>,
      %add3A_535 = arith.constant 96 : i32
      %add3A_536 = arith.addi %mul3A_38, %add3A_535 : i32
      %swap3A_537 = arith.index_cast %add3A_536 : i32 to index
      %swap3A_538 = tpu.vector_load %arg6[%swap3A_537] {strides = array<i32>} : memref<32768xf32, #tpu.memory_space<vmem>>, vector<16xf32>,
      tpu.vector_store %arg6[%swap3A_537], %masked_sort3A_482 {strides = array<i32>} : memref<32768xf32, #tpu.memory_space<vmem>>, vector<16xf32>,
      %add3A_539 = arith.constant 96 : i32
      %add3A_540 = arith.addi %mul3A_38, %add3A_539 : i32
      %swap3A_541 = arith.index_cast %add3A_540 : i32 to index
      %swap3A_542 = tpu.vector_load %arg7[%swap3A_541] {strides = array<i32>} : memref<32768xf32, #tpu.memory_space<vmem>>, vector<16xf32>,
      tpu.vector_store %arg7[%swap3A_541], %masked_sort3A_483 {strides = array<i32>} : memref<32768xf32, #tpu.memory_space<vmem>>, vector<16xf32>,
      %add3A_543 = arith.constant 112 : i32
      %add3A_544 = arith.addi %mul3A_38, %add3A_543 : i32
      %swap3A_545 = arith.index_cast %add3A_544 : i32 to index
      %swap3A_546 = tpu.vector_load %arg6[%swap3A_545] {strides = array<i32>} : memref<32768xf32, #tpu.memory_space<vmem>>, vector<16xf32>,
      tpu.vector_store %arg6[%swap3A_545], %masked_sort3A_486 {strides = array<i32>} : memref<32768xf32, #tpu.memory_space<vmem>>, vector<16xf32>,
      %add3A_547 = arith.constant 112 : i32
      %add3A_548 = arith.addi %mul3A_38, %add3A_547 : i32
      %swap3A_549 = arith.index_cast %add3A_548 : i32 to index
      %swap3A_550 = tpu.vector_load %arg7[%swap3A_549] {strides = array<i32>} : memref<32768xf32, #tpu.memory_space<vmem>>, vector<16xf32>,
      tpu.vector_store %arg7[%swap3A_549], %masked_sort3A_487 {strides = array<i32>} : memref<32768xf32, #tpu.memory_space<vmem>>, vector<16xf32>,
    }
    %scan3A_31 = arith.constant 256 : i32
    %mul3A_32 = arith.constant 128 : i32
    %mul3A_33 = arith.muli %add3A_21, %mul3A_32 : i32
    "tpu.region"() ({
      %run_scoped3A = tpu.sem_alloc : memref<!tpu.dma_semaphore, #tpu.memory_space<semaphore_mem>>
      %dma_start3A = tpu.memref_slice %arg4[%mul3A_33] : memref<2097152xf32, #tpu.memory_space<hbm>> -> memref<32768xf32, #tpu.memory_space<hbm>>
      %dma_start3A_36 = tpu.memref_slice %arg4[%mul3A_33] : memref<2097152xf32, #tpu.memory_space<hbm>> -> memref<32768xf32, #tpu.memory_space<hbm>>
      tpu.enqueue_dma source(%arg6 : memref<32768xf32, #tpu.memory_space<vmem>>) target(%dma_start3A_36 : memref<32768xf32, #tpu.memory_space<hbm>>) target_semaphore(%run_scoped3A : memref<!tpu.dma_semaphore, #tpu.memory_space<semaphore_mem>>)
      %dma_wait3A = tpu.memref_slice %arg4[%mul3A_33] : memref<2097152xf32, #tpu.memory_space<hbm>> -> memref<32768xf32, #tpu.memory_space<hbm>>
      %dma_wait3A_37 = tpu.memref_slice %arg4[%mul3A_33] : memref<2097152xf32, #tpu.memory_space<hbm>> -> memref<32768xf32, #tpu.memory_space<hbm>>
      tpu.wait_dma2 semaphore(%run_scoped3A : memref<!tpu.dma_semaphore, #tpu.memory_space<semaphore_mem>>) src(%arg6 : memref<32768xf32, #tpu.memory_space<vmem>>) dst(%dma_wait3A_37 : memref<32768xf32, #tpu.memory_space<hbm>>)
      tpu.yield
    }) : () -> ()
    %mul3A_34 = arith.constant 128 : i32
    %mul3A_35 = arith.muli %add3A_21, %mul3A_34 : i32
    "tpu.region"() ({
      %run_scoped3A = tpu.sem_alloc : memref<!tpu.dma_semaphore, #tpu.memory_space<semaphore_mem>>
      %dma_start3A = tpu.memref_slice %arg5[%mul3A_35] : memref<2097152xf32, #tpu.memory_space<hbm>> -> memref<32768xf32, #tpu.memory_space<hbm>>
      %dma_start3A_36 = tpu.memref_slice %arg5[%mul3A_35] : memref<2097152xf32, #tpu.memory_space<hbm>> -> memref<32768xf32, #tpu.memory_space<hbm>>
      tpu.enqueue_dma source(%arg7 : memref<32768xf32, #tpu.memory_space<vmem>>) target(%dma_start3A_36 : memref<32768xf32, #tpu.memory_space<hbm>>) target_semaphore(%run_scoped3A : memref<!tpu.dma_semaphore, #tpu.memory_space<semaphore_mem>>)
      %dma_wait3A = tpu.memref_slice %arg5[%mul3A_35] : memref<2097152xf32, #tpu.memory_space<hbm>> -> memref<32768xf32, #tpu.memory_space<hbm>>
      %dma_wait3A_37 = tpu.memref_slice %arg5[%mul3A_35] : memref<2097152xf32, #tpu.memory_space<hbm>> -> memref<32768xf32, #tpu.memory_space<hbm>>
      tpu.wait_dma2 semaphore(%run_scoped3A : memref<!tpu.dma_semaphore, #tpu.memory_space<semaphore_mem>>) src(%arg7 : memref<32768xf32, #tpu.memory_space<vmem>>) dst(%dma_wait3A_37 : memref<32768xf32, #tpu.memory_space<hbm>>)
      tpu.yield
    }) : () -> ()
    return
  }
}

module attributes {stable_mosaic.version = 14 : i64} {
  func.func @_tail_body(%arg0: i32, %arg1: memref<256x128xf32, #tpu.memory_space<vmem>>, %arg2: memref<256x128xf32, #tpu.memory_space<vmem>>, %arg3: memref<256x2xi32, #tpu.memory_space<vmem>>) attributes {dimension_semantics = [#tpu.dimension_semantics<arbitrary>], iteration_bounds = array<i64: 64>, scalar_prefetch = 0 : i64, scratch_operands = 0 : i64, tpu.core_type = #tpu.core_type<tc>, window_params = [{transform_indices = @transform_0, window_bounds = array<i64: 256, 128>}, {transform_indices = @transform_1, window_bounds = array<i64: 256, 128>}, {transform_indices = @transform_2, window_bounds = array<i64: 256, 2>}]} {
    %get3A = arith.constant 0 : index
    %get3A_0 = arith.constant 0 : index
    %get3A_1 = vector.load %arg1[%get3A, %get3A_0] : memref<256x128xf32, #tpu.memory_space<vmem>>, vector<256x128xf32>
    %get3A_2 = arith.constant 0 : index
    %get3A_3 = arith.constant 0 : index
    %get3A_4 = vector.load %arg2[%get3A_2, %get3A_3] : memref<256x128xf32, #tpu.memory_space<vmem>>, vector<256x128xf32>
    %iota3A = tpu.iota {dimensions = array<i32: 1>} : vector<256x128xi32>
    %iota3A_5 = tpu.iota {dimensions = array<i32: 0>} : vector<128x128xi32>
    %iota3A_6 = tpu.iota {dimensions = array<i32: 1>} : vector<128x128xi32>
    %le3A = arith.cmpi sle, %iota3A_5, %iota3A_6 : vector<128x128xi32>
    %convert_element_type3A = arith.extui %le3A : vector<128x128xi1> to vector<128x128xi32>
    %convert_element_type3A_7 = arith.sitofp %convert_element_type3A : vector<128x128xi32> to vector<128x128xf32>
    %convert_element_type3A_8 = arith.truncf %convert_element_type3A_7 : vector<128x128xf32> to vector<128x128xbf16>
    %convert_element_type3A_9 = arith.truncf %get3A_4 : vector<256x128xf32> to vector<256x128xbf16>
    %dot_general3A = arith.constant dense<0.000000e+00> : vector<256x128xf32>
    %dot_general3A_10 = tpu.matmul %convert_element_type3A_9, %convert_element_type3A_8, %dot_general3A {dimension_numbers = #tpu.dot_dimension_numbers<[1], [0], [0], [1], [0, 0, 1, 1], [], []>, transpose_lhs_hint = false} : vector<256x128xbf16>, vector<128x128xbf16>, vector<256x128xf32> -> vector<256x128xf32>
    %mul3A = arith.constant 256 : i32
    %mul3A_11 = vector.broadcast %mul3A : i32 to vector<256x128xi32>
    %mul3A_12 = arith.muli %iota3A, %mul3A_11 : vector<256x128xi32>
    %convert_element_type3A_13 = arith.fptosi %dot_general3A_10 : vector<256x128xf32> to vector<256x128xi32>
    %add3A = arith.addi %mul3A_12, %convert_element_type3A_13 : vector<256x128xi32>
    %roll3A = arith.constant 127 : i32
    %roll3A_14 = tpu.dynamic_rotate %add3A by %roll3A dim 1 : vector<256x128xi32>, i32 -> vector<256x128xi32>
    %roll3A_15 = arith.constant 127 : i32
    %roll3A_16 = tpu.dynamic_rotate %get3A_1 by %roll3A_15 dim 1 : vector<256x128xf32>, i32 -> vector<256x128xf32>
    %eq3A = arith.cmpf oeq, %roll3A_16, %get3A_1 : vector<256x128xf32>
    %lt3A = arith.constant 127 : i32
    %lt3A_17 = vector.broadcast %lt3A : i32 to vector<256x128xi32>
    %lt3A_18 = arith.cmpi slt, %iota3A, %lt3A_17 : vector<256x128xi32>
    %and3A = arith.andi %eq3A, %lt3A_18 : vector<256x128xi1>
    %select_n3A = arith.select %and3A, %roll3A_14, %add3A : vector<256x128xi1>, vector<256x128xi32>
    %roll3A_19 = arith.constant 126 : i32
    %roll3A_20 = tpu.dynamic_rotate %select_n3A by %roll3A_19 dim 1 : vector<256x128xi32>, i32 -> vector<256x128xi32>
    %roll3A_21 = arith.constant 126 : i32
    %roll3A_22 = tpu.dynamic_rotate %get3A_1 by %roll3A_21 dim 1 : vector<256x128xf32>, i32 -> vector<256x128xf32>
    %eq3A_23 = arith.cmpf oeq, %roll3A_22, %get3A_1 : vector<256x128xf32>
    %lt3A_24 = arith.constant 126 : i32
    %lt3A_25 = vector.broadcast %lt3A_24 : i32 to vector<256x128xi32>
    %lt3A_26 = arith.cmpi slt, %iota3A, %lt3A_25 : vector<256x128xi32>
    %and3A_27 = arith.andi %eq3A_23, %lt3A_26 : vector<256x128xi1>
    %select_n3A_28 = arith.select %and3A_27, %roll3A_20, %select_n3A : vector<256x128xi1>, vector<256x128xi32>
    %roll3A_29 = arith.constant 124 : i32
    %roll3A_30 = tpu.dynamic_rotate %select_n3A_28 by %roll3A_29 dim 1 : vector<256x128xi32>, i32 -> vector<256x128xi32>
    %roll3A_31 = arith.constant 124 : i32
    %roll3A_32 = tpu.dynamic_rotate %get3A_1 by %roll3A_31 dim 1 : vector<256x128xf32>, i32 -> vector<256x128xf32>
    %eq3A_33 = arith.cmpf oeq, %roll3A_32, %get3A_1 : vector<256x128xf32>
    %lt3A_34 = arith.constant 124 : i32
    %lt3A_35 = vector.broadcast %lt3A_34 : i32 to vector<256x128xi32>
    %lt3A_36 = arith.cmpi slt, %iota3A, %lt3A_35 : vector<256x128xi32>
    %and3A_37 = arith.andi %eq3A_33, %lt3A_36 : vector<256x128xi1>
    %select_n3A_38 = arith.select %and3A_37, %roll3A_30, %select_n3A_28 : vector<256x128xi1>, vector<256x128xi32>
    %roll3A_39 = arith.constant 120 : i32
    %roll3A_40 = tpu.dynamic_rotate %select_n3A_38 by %roll3A_39 dim 1 : vector<256x128xi32>, i32 -> vector<256x128xi32>
    %roll3A_41 = arith.constant 120 : i32
    %roll3A_42 = tpu.dynamic_rotate %get3A_1 by %roll3A_41 dim 1 : vector<256x128xf32>, i32 -> vector<256x128xf32>
    %eq3A_43 = arith.cmpf oeq, %roll3A_42, %get3A_1 : vector<256x128xf32>
    %lt3A_44 = arith.constant 120 : i32
    %lt3A_45 = vector.broadcast %lt3A_44 : i32 to vector<256x128xi32>
    %lt3A_46 = arith.cmpi slt, %iota3A, %lt3A_45 : vector<256x128xi32>
    %and3A_47 = arith.andi %eq3A_43, %lt3A_46 : vector<256x128xi1>
    %select_n3A_48 = arith.select %and3A_47, %roll3A_40, %select_n3A_38 : vector<256x128xi1>, vector<256x128xi32>
    %roll3A_49 = arith.constant 112 : i32
    %roll3A_50 = tpu.dynamic_rotate %select_n3A_48 by %roll3A_49 dim 1 : vector<256x128xi32>, i32 -> vector<256x128xi32>
    %roll3A_51 = arith.constant 112 : i32
    %roll3A_52 = tpu.dynamic_rotate %get3A_1 by %roll3A_51 dim 1 : vector<256x128xf32>, i32 -> vector<256x128xf32>
    %eq3A_53 = arith.cmpf oeq, %roll3A_52, %get3A_1 : vector<256x128xf32>
    %lt3A_54 = arith.constant 112 : i32
    %lt3A_55 = vector.broadcast %lt3A_54 : i32 to vector<256x128xi32>
    %lt3A_56 = arith.cmpi slt, %iota3A, %lt3A_55 : vector<256x128xi32>
    %and3A_57 = arith.andi %eq3A_53, %lt3A_56 : vector<256x128xi1>
    %select_n3A_58 = arith.select %and3A_57, %roll3A_50, %select_n3A_48 : vector<256x128xi1>, vector<256x128xi32>
    %roll3A_59 = arith.constant 96 : i32
    %roll3A_60 = tpu.dynamic_rotate %select_n3A_58 by %roll3A_59 dim 1 : vector<256x128xi32>, i32 -> vector<256x128xi32>
    %roll3A_61 = arith.constant 96 : i32
    %roll3A_62 = tpu.dynamic_rotate %get3A_1 by %roll3A_61 dim 1 : vector<256x128xf32>, i32 -> vector<256x128xf32>
    %eq3A_63 = arith.cmpf oeq, %roll3A_62, %get3A_1 : vector<256x128xf32>
    %lt3A_64 = arith.constant 96 : i32
    %lt3A_65 = vector.broadcast %lt3A_64 : i32 to vector<256x128xi32>
    %lt3A_66 = arith.cmpi slt, %iota3A, %lt3A_65 : vector<256x128xi32>
    %and3A_67 = arith.andi %eq3A_63, %lt3A_66 : vector<256x128xi1>
    %select_n3A_68 = arith.select %and3A_67, %roll3A_60, %select_n3A_58 : vector<256x128xi1>, vector<256x128xi32>
    %roll3A_69 = arith.constant 64 : i32
    %roll3A_70 = tpu.dynamic_rotate %select_n3A_68 by %roll3A_69 dim 1 : vector<256x128xi32>, i32 -> vector<256x128xi32>
    %roll3A_71 = arith.constant 64 : i32
    %roll3A_72 = tpu.dynamic_rotate %get3A_1 by %roll3A_71 dim 1 : vector<256x128xf32>, i32 -> vector<256x128xf32>
    %eq3A_73 = arith.cmpf oeq, %roll3A_72, %get3A_1 : vector<256x128xf32>
    %lt3A_74 = arith.constant 64 : i32
    %lt3A_75 = vector.broadcast %lt3A_74 : i32 to vector<256x128xi32>
    %lt3A_76 = arith.cmpi slt, %iota3A, %lt3A_75 : vector<256x128xi32>
    %and3A_77 = arith.andi %eq3A_73, %lt3A_76 : vector<256x128xi1>
    %select_n3A_78 = arith.select %and3A_77, %roll3A_70, %select_n3A_68 : vector<256x128xi1>, vector<256x128xi32>
    %and3A_79 = arith.constant 255 : i32
    %and3A_80 = vector.broadcast %and3A_79 : i32 to vector<256x128xi32>
    %and3A_81 = arith.andi %select_n3A_78, %and3A_80 : vector<256x128xi32>
    %convert_element_type3A_82 = arith.sitofp %and3A_81 : vector<256x128xi32> to vector<256x128xf32>
    %shift_right_arithmetic3A = arith.constant 8 : i32
    %shift_right_arithmetic3A_83 = vector.broadcast %shift_right_arithmetic3A : i32 to vector<256x128xi32>
    %shift_right_arithmetic3A_84 = arith.shrsi %select_n3A_78, %shift_right_arithmetic3A_83 : vector<256x128xi32>
    %convert_element_type3A_85 = arith.sitofp %shift_right_arithmetic3A_84 : vector<256x128xi32> to vector<256x128xf32>
    %slice3A = vector.extract_strided_slice %dot_general3A_10 {offsets = [0, 127], sizes = [256, 1], strides = [1, 1]} : vector<256x128xf32> to vector<256x1xf32>
    %add3A_86 = arith.constant 1.000000e+00 : f32
    %add3A_87 = vector.broadcast %add3A_86 : f32 to vector<256x128xf32>
    %add3A_88 = arith.addf %convert_element_type3A_85, %add3A_87 : vector<256x128xf32>
    %add3A_89 = vector.broadcast %slice3A : vector<256x1xf32> to vector<256x128xf32>
    %add3A_90 = arith.addf %add3A_88, %add3A_89 : vector<256x128xf32>
    %sub3A = arith.subf %add3A_90, %convert_element_type3A_82 : vector<256x128xf32>
    %div3A = arith.divf %convert_element_type3A_82, %sub3A : vector<256x128xf32>
    %reduce_max3A = arith.constant dense<0xFF800000> : vector<256xf32>
    %reduce_max3A_91 = vector.multi_reduction <maximumf>, %div3A, %reduce_max3A [1] : vector<256x128xf32> to vector<256xf32>
    %broadcast_in_dim3A = vector.shape_cast %reduce_max3A_91 : vector<256xf32> to vector<256x1xf32>
    %ge3A = vector.broadcast %broadcast_in_dim3A : vector<256x1xf32> to vector<256x128xf32>
    %ge3A_92 = arith.cmpf oge, %div3A, %ge3A : vector<256x128xf32>
    %jit3A = arith.constant 128 : i32
    %broadcast_in_dim3A_93 = vector.broadcast %jit3A : i32 to vector<256x128xi32>
    %select_n3A_94 = arith.select %ge3A_92, %iota3A, %broadcast_in_dim3A_93 : vector<256x128xi1>, vector<256x128xi32>
    %reduce_min3A = arith.constant dense<2147483647> : vector<256xi32>
    %reduce_min3A_95 = vector.multi_reduction <minsi>, %select_n3A_94, %reduce_min3A [1] : vector<256x128xi32> to vector<256xi32>
    %add3A_96 = arith.constant 1 : i32
    %add3A_97 = vector.broadcast %add3A_96 : i32 to vector<256xi32>
    %add3A_98 = arith.addi %reduce_min3A_95, %add3A_97 : vector<256xi32>
    %broadcast_in_dim3A_99 = vector.shape_cast %add3A_98 : vector<256xi32> to vector<256x1xi32>
    %convert_element_type3A_100 = arith.fptosi %slice3A : vector<256x1xf32> to vector<256x1xi32>
    %concatenate3A = tpu.concatenate %broadcast_in_dim3A_99, %convert_element_type3A_100 in 1 : vector<256x1xi32>, vector<256x1xi32> -> vector<256x2xi32>
    %swap3A = arith.constant 0 : index
    %swap3A_101 = arith.constant 0 : index
    %swap3A_102 = vector.load %arg3[%swap3A, %swap3A_101] : memref<256x2xi32, #tpu.memory_space<vmem>>, vector<256x2xi32>
    tpu.vector_store %arg3[%swap3A, %swap3A_101], %concatenate3A {strides = array<i32>} : memref<256x2xi32, #tpu.memory_space<vmem>>, vector<256x2xi32>,
    return
  }
  func.func @transform_0(%arg0: i32) -> (i32, i32) {
    %c0_i32 = arith.constant 0 : i32
    %c0_i32_0 = arith.constant 0 : i32
    return %arg0, %c0_i32 : i32, i32
  }
  func.func @transform_1(%arg0: i32) -> (i32, i32) {
    %c0_i32 = arith.constant 0 : i32
    %c0_i32_0 = arith.constant 0 : i32
    return %arg0, %c0_i32 : i32, i32
  }
  func.func @transform_2(%arg0: i32) -> (i32, i32) {
    %c0_i32 = arith.constant 0 : i32
    %c0_i32_0 = arith.constant 0 : i32
    return %arg0, %c0_i32 : i32, i32
  }
}

</mosaic_0001>

<sc_bundles>
// kernel: kernel.4.cloned.1.call-start
scs
__scs_entry_jumppad:
0x0: {  	(pc) =	sbr.rel $0x88, $3  }
0x1: {  	(tag) =	ssettag $0x0;
	lr =	simm.s32 $0x1  }
0x2: {  	[smem:$0x3F9F] =	sst lr;
	_ =	strace $0xD0000000  }
0x3: {  	_ = 	snop  }
0x4: {  	_ = 	snop  }
0x5: {  	_ = 	snop  }
0x6: {  	_ = 	snop  }
0x7: {  	_ = 	snop  }
__scs_overlays_trampoline_lowered:
0x8: {  	[smem:$0x3FAE] =	sst s0  }
0x9: {  	[smem:$0x3FAF] =	sst s1  }
0xa: {  	[smem:$0x3FB0] =	sst s2  }
0xb: {  	[smem:$0x3FB1] =	sst s3  }
0xc: {  	[smem:$0x3FB2] =	sst s4  }
0xd: {  	[smem:$0x3FB3] =	sst s5  }
0xe: {  	[smem:$0x3FB4] =	sst s6  }
0xf: {  	[smem:$0x3FB5] =	sst s7  }
0x10: {  	[smem:$0x3FB6] =	sst s8  }
0x11: {  	[smem:$0x3FB7] =	sst s9;
	s0 =	simm.s32 @!p0 $0x0  }
0x12: {  	s1 =	sld [smem:$0x3F9D];
	s0 =	simm.s32 @p0 $0x1  }
0x13: {  	[smem:$0x3FB8] =	sst s0;
	s0 =	simm.s32 @!p1 $0x0  }
0x14: {  	s2 =	sld [smem:$0x3F9C];
	s0 =	simm.s32 @p1 $0x1  }
0x15: {  	[smem:$0x3FB9] =	sst s0;
	s0 =	simm.s32 @!p2 $0x0  }
0x16: {  	s3 =	sld [smem:$0x3FDB];
	s0 =	simm.s32 @p2 $0x1  }
0x17: {  	s4 =	simm.s32 $0x1BF5;
	[smem:$0x3FBB] =	sst s0  }
0x18: {  	s0 =	sld [smem:$0x3F9E];
	_ =	swait.ge [sflag:s4], $0x0  }
0x19: {  	s7 =	sld [smem:$0x3F9F]  }
0x1a: {  	s8 =	sadd.s32 $0xFFFFE003, lr  }
0x1b: {  	s9 =	sadd.s32 $0xFFFFFEF7, lr;
	s5 =	simm.s32 $0xFFFFFFFF;
	p2 =	slt.u32 s8, $0xFFFFF086  }
0x1c: {  	p1 =	slt.u32 s9, $0xF7A;
	s5 =	simm.s32 @!p2 $0x0  }
0x1d: {  	s5 =	simm.s32 @p1 $0x1;
	p0 =	seq.s32 s7, s2  }
0x1e: {  	s7 =	smul.u32 @!p0 $0xF7A, s2;
	p2 =	seq.s32 @!p0 s5, $0x0  }
0x1f: {  	s9 =	smul.u32 $0xF7A, s1;
	s8 =	simm.s32 @!p0 $0x1BF5;
	p2 =	por !p2, p0  }
0x20: {  	[sflag:s8] =	ssyncset.s32 @!p0 $0xFFFFF086;
	s6 =	sadd.s32 @!p0 s3, s7;
	s7 =	simm.s32 @!p0 $0x108  }
0x21: {  	s3 =	sadd.s32 s3, s9;
	s6 =	sadd.s32 @!p0 $0x88, s6;
	s7 =	simm.s32 @p2 $0x1082  }
0x22: {  	[simem:s7], [sflag:s8] =	dma.local @!p0 [hbm:s6], $0xF7A  }
0x23: {  	s9 =	sor.u32 $0xD0000000, s2;
	s6 =	simm.s32 $0x108;
	_ =	swait.ge @!p0 [sflag:s8], $0x0  }
0x24: {  	s3 =	sadd.s32 $0x88, s3;
	s6 =	simm.s32 @!p1 $0x1082;
	[sflag:s4] =	ssyncset.s32 $0xFFFFF086  }
0x25: {  	[simem:s6], [sflag:s4] =	dma.local [hbm:s3], $0xF7A  }
0x26: {  	[smem:$0x3F9F] =	sst s1;
	(tag) =	ssettag s2;
	_ =	strace s9  }
0x27: {  	s1 =	sld [smem:$0x3FAF]  }
0x28: {  	s2 =	sld [smem:$0x3FB0]  }
0x29: {  	s4 =	sld [smem:$0x3FB2]  }
0x2a: {  	p0 =	seq.s32 s5, $0x0;
	s5 =	sld [smem:$0x3FB3]  }
0x2b: {  	s6 =	sld [smem:$0x3FB4]  }
0x2c: {  	s7 =	sld [smem:$0x3FB5]  }
0x2d: {  	s3 =	simm.s32 $0x108;
	s8 =	sld [smem:$0x3FB6]  }
0x2e: {  	s3 =	simm.s32 @!p0 $0x1082;
	s9 =	sld [smem:$0x3FB7]  }
0x2f: {  	lr =	sadd.s32 s0, s3;
	s0 =	sld [smem:$0x3FAE]  }
0x30: {  	s3 =	sld [smem:$0x3FB1]  }
0x31: {  	[smem:$0x3FBA] =	sst s10  }
0x32: {  	s10 =	sld [smem:$0x3FB8];
	_ =	sdelay $0x3  }
0x33: {  	p0 =	seq.s32 s10, $0x1;
	s10 =	sld [smem:$0x3FBA];
	_ =	sdelay $0x3  }
0x34: {  	[smem:$0x3FBA] =	sst s10  }
0x35: {  	s10 =	sld [smem:$0x3FB9];
	_ =	sdelay $0x3  }
0x36: {  	p1 =	seq.s32 s10, $0x1;
	s10 =	sld [smem:$0x3FBA];
	_ =	sdelay $0x3  }
0x37: {  	[smem:$0x3FBA] =	sst s10  }
0x38: {  	s10 =	sld [smem:$0x3FBB]  }
0x39: {  	_ = 	snop;
	(pc) =	sbr.ind lr, $3  }
0x3a: {  	_ = 	snop  }
0x3b: {  	_ = 	snop  }
0x3c: {  	p2 =	seq.s32 s10, $0x1;
	s10 =	sld [smem:$0x3FBA]  }
0x3d: {  	_ =	shalt  }
0x3e: {  	_ =	shalt  }
0x3f: {  	_ =	shalt  }
0x40: {  	_ =	shalt  }
0x41: {  	_ =	shalt  }
0x42: {  	_ =	shalt  }
0x43: {  	_ =	shalt  }
0x44: {  	_ =	shalt  }
0x45: {  	_ =	shalt  }
0x46: {  	_ =	shalt  }
0x47: {  	_ =	shalt  }
0x48: {  	_ =	shalt  }
0x49: {  	_ =	shalt  }
0x4a: {  	_ =	shalt  }
0x4b: {  	_ =	shalt  }
0x4c: {  	_ =	shalt  }
0x4d: {  	_ =	shalt  }
0x4e: {  	_ =	shalt  }
0x4f: {  	_ =	shalt  }
0x50: {  	_ =	shalt  }
0x51: {  	_ =	shalt  }
0x52: {  	_ =	shalt  }
0x53: {  	_ =	shalt  }
0x54: {  	_ =	shalt  }
0x55: {  	_ =	shalt  }
0x56: {  	_ =	shalt  }
0x57: {  	_ =	shalt  }
0x58: {  	_ =	shalt  }
0x59: {  	_ =	shalt  }
0x5a: {  	_ =	shalt  }
0x5b: {  	_ =	shalt  }
0x5c: {  	_ =	shalt  }
0x5d: {  	_ =	shalt  }
0x5e: {  	_ =	shalt  }
0x5f: {  	_ =	shalt  }
0x60: {  	_ =	shalt  }
0x61: {  	_ =	shalt  }
0x62: {  	_ =	shalt  }
0x63: {  	_ =	shalt  }
0x64: {  	_ =	shalt  }
0x65: {  	_ =	shalt  }
0x66: {  	_ =	shalt  }
0x67: {  	_ =	shalt  }
0x68: {  	_ =	shalt  }
0x69: {  	_ =	shalt  }
0x6a: {  	_ =	shalt  }
0x6b: {  	_ =	shalt  }
0x6c: {  	_ =	shalt  }
0x6d: {  	_ =	shalt  }
0x6e: {  	_ =	shalt  }
0x6f: {  	_ =	shalt  }
0x70: {  	_ =	shalt  }
0x71: {  	_ =	shalt  }
0x72: {  	_ =	shalt  }
0x73: {  	_ =	shalt  }
0x74: {  	_ =	shalt  }
0x75: {  	_ =	shalt  }
0x76: {  	_ =	shalt  }
0x77: {  	_ =	shalt  }
0x78: {  	_ =	shalt  }
0x79: {  	_ =	shalt  }
0x7a: {  	_ =	shalt  }
0x7b: {  	_ =	shalt  }
0x7c: {  	_ =	shalt  }
0x7d: {  	_ =	shalt  }
0x7e: {  	_ =	shalt  }
0x7f: {  	_ =	shalt  }
0x80: {  	_ =	shalt  }
0x81: {  	_ =	shalt  }
0x82: {  	_ =	shalt  }
0x83: {  	_ =	shalt  }
0x84: {  	_ =	shalt  }
0x85: {  	_ =	shalt  }
0x86: {  	_ =	shalt  }
0x87: {  	_ =	shalt  }
.Lfunc_end0:
.L_simem_size_0:
called_computation_lowered:
.L_overlay_start_0:
0x88: {  	s2 =	sld [smem:$0x3FD9]  }
0x89: {  	s3 =	sld [smem:$0x3FFE];
	_ =	sdelay $0x1  }
0x8a: {  	s1 =	srdreg.scid  }
0x8b: {  	s0 =	sand.u32 $0x1, s1  }
0x8c: {  	s17 =	sshll.u32 s0, $0xA;
	s2 =	sadd.s32 s3, s2  }
0x8d: {  	s2 =	sadd.s32 s2, s17  }
0x8e: {  	[smem:$0x3FC6] =	sst s2  }
0x8f: {  	_ = 	snop  }
0x90: {  	s2 =	sld [smem:$0x3FC9];
	(tm) =	ssettm $0x1  }
0x91: {  	s18 =	sld [smem:$0x3FFB];
	_ =	sdelay $0x3  }
0x92: {  	_ =	strace s18  }
0x93: {  	s3 =	sld [smem:$0x3FFC];
	_ =	sdelay $0x3  }
0x94: {  	_ =	strace s3  }
0x95: {  	s3 =	sld [smem:$0x3FFD];
	_ =	sdelay $0x3  }
0x96: {  	_ =	strace s3  }
0x97: {  	_ =	strace $0x8FFFFFFF  }
0x98: {  	s19 =	sld [smem:$0x3FDB];
	_ =	sdelay $0x1  }
0x99: {  	s4 =	simm.s32 $_scs_section_size  }
0x9a: {  	s5 =	simm.s32 $_size__tile_overlayer_lowered;
	s6 =	simm.s32 $_tile_overlayer_lowered  }
0x9b: {  	s22 =	simm.s32 $0x1BFF;
	s21 =	sshll.u32 s6, $0x1;
	s3 =	sadd.s32 s4, s19  }
0x9c: {  	s7 =	simm.s32 $0x0;
	s20 =	sshll.u32 s5, $0x1;
	s5 =	sadd.s32 s21, s3  }
0x9d: {  	[timem:s7], [sflag:s22] =	dma.local [hbm:s5], s20  }
0x9e: {  	_ =	swait.ge [sflag:s22], s20  }
0x9f: {  	s4 =	ssub.s32 $0x0, s20;
	[sflag:s22] =	ssyncset.done $0x0  }
0xa0: {  	[sflag:s22] =	ssyncadd.s32 s4;
	_ =	sdelay $0x1  }
0xa1: {  	s23 =	simm.s32 $0x1B8B  }
0xa2: {  	_ =	swait.ge [sflag:s23], $0x1  }
0xa3: {  	[sflag:s23] =	ssyncset.done $0x0  }
0xa4: {  	s25 =	simm.s32 $0x1B8E;
	s24 =	sld [smem:$0x3FFE];
	[sflag:s23] =	ssyncadd.s32 $0xFFFFFFFF  }
0xa5: {  	s26 =	simm.s32 $execute0_lowered;
	[smem:$0x3FD2] =	sst s25  }
0xa6: {  	s5 =	sshll.u32 s26, $0x1;
	_ =	strace $0x80000046;
	[dreg:$0x1] =	wrdreg $0xFFFFFFFF  }
0xa7: {  	s28 =	simm.s32 $_size_execute0_lowered;
	s3 =	sadd.s32 s3, s5;
	[dreg:$0x0] =	wrdreg $0x0  }
0xa8: {  	s5 =	sshll.u32 s28, $0x1;
	[dreg:$0x2] =	wrdreg s3  }
0xa9: {  	[dreg:$0x3] =	wrdreg s5  }
0xaa: {  	[dreg:$0x4] =	wrdreg $0xC0  }
0xab: {  	_ =	task [dreg:s7], $0x5FFFF  }
0xac: {  	[dreg:$0x1] =	wrdreg $0xFFFFFFFF  }
0xad: {  	[dreg:$0x0] =	wrdreg $0x60  }
0xae: {  	[dreg:$0x2] =	wrdreg s2  }
0xaf: {  	[dreg:$0x3] =	wrdreg s24  }
0xb0: {  	[dreg:$0x4] =	wrdreg $0x9  }
0xb1: {  	_ =	task.clear_ibuf [dreg:s7], $0x5FFFF;
	_ =	strace $0x90000046  }
0xb2: {  	s29 =	simm.s32 $0x9;
	_ =	strace $0x80000048  }
0xb3: {  	_ =	swait.ge [sflag:s29], $0x1  }
0xb4: {  	[sflag:s29] =	ssyncadd.s32 $0xFFFFFFFF  }
0xb5: {  	_ =	strace $0x90000048  }
0xb6: {  	_ =	sfence  }
0xb7: {  	s30 =	sld [smem:$0x0];
	_ =	sdelay $0x2  }
0xb8: {  	s31 =	sshll.u32 s1, $0xD;
	s1 =	sshrl.u32 s1, $0x2  }
0xb9: {  	s3 =	sand.u32 $0x4000, s31;
	s1 =	sadd.s32 s1, s30  }
0xba: {  	s0 =	sor.u32 s3, s0;
	s1 =	sshll.u32 s1, $0x11  }
0xbb: {  	s0 =	sor.u32 s1, s0  }
0xbc: {  	s0 =	sadd.s32 $0x8F2B, s0  }
0xbd: {  	[sflag:s0] =	ssyncadd.remote.s32 $0x1  }
0xbe: {  	_ =	sfence.sel $0xFFFF  }
0xbf: {  	[dreg:$0x0] =	wrdreg $0xFFFFFFFF;
	(pc) =	sbr.abs _section_cstart, $3  }
0xc0: {  	[dreg:$0x1] =	wrdreg $0xFFFFFFFF  }
0xc1: {  	_ =	task.clear_ibuf [dreg:s7], $0x2FFFF;
	_ =	strace $0x9FFFFFFF  }
0xc2: {  	(tm) =	ssettm $0x7FFFFFFF  }
0xc3: {  	_ =	shalt  }
tec
execute0_lowered:
.L_overlay_start_1:
0x0: {  	(tag) =	ssettag $0x1  }
0x1: {  	s7 =	rddreg [dreg:$0x0]  }
0x2: {  	s3 =	rddreg [dreg:$0x1]  }
0x3: {  	s0 =	rddreg [dreg:$0x2];
	s1 =	simm.s32 $0x0  }
0x4: {  	s4 =	srdreg.scid;
	s2 =	stileid.u32;
	s13 =	simm.s32 $0x8000  }
0x5: {  	s14 =	simm.s32 $0x0;
	[smem:$0x7FF] =	sst s1;
	s8 =	sadd.s32 $0xA00, s3  }
0x6: {  	s4 =	sand.u32 $0x1, s4;
	s6 =	sshll.u32 s2, $0xE;
	s9 =	sadd.s32 $0x40A00, s3  }
0x7: {  	s11 =	sadd.s32 $0x80A00, s3;
	s5 =	ssub.s32 $0x2, s4;
	s4 =	sshll.u32 s4, $0xD  }
0x8: {  	_ =	strace $0x80000047;
	s10 =	sshrl.u32 s5, $0x1;
	s6 =	sor.u32 s4, s6  }
0x9: {  	v0 =	vlaneseq.u32;
	s12 =	ssub.s32 s5, s10;
	s3 =	sadd.s32 s7, s6;
	s4 =	sadd.s32 s8, s6  }
0xa: {  	v0 =	vmul.u32 $0xFFFFFFFF, v0;
	s5 =	sadd.s32 s9, s6;
	s31 =	sor.u32 $0x1000, s6;
	s6 =	sadd.s32 s11, s6  }
0xb: {  	s7 =	sadd.s32 s7, s31;
	s8 =	sadd.s32 s8, s31;
	s9 =	sadd.s32 s9, s31  }
0xc: {  	v0 =	vadd.s32 $0xF, v0;
	s10 =	sadd.s32 s11, s31;
	s11 =	smax.u32 s12, $0x1;
	s12 =	simm.s32 $0x1  }
.LBB2_1:
0xd: {  	[tilespmem:s1], [sflag:$0x1] =	stream.linear.gather [hbm4b:s3+s1], $0x8000, $0x38;
	[tilespmem:$0x10000] =	vst v63  }
0xe: {  	_ =	swait.ge [sflag:s12], $0x8000  }
0xf: {  	[sflag:s12] =	ssyncset.done $0x0  }
0x10: {  	[sflag:s12] =	ssyncadd.s32 $0xFFFF8000  }
0x11: {  	[tilespmem:s13], [sflag:$0x1] =	stream.linear.gather [hbm4b:s4+s1], $0x8000, $0x38;
	[tilespmem:$0x10000] =	vst v63  }
0x12: {  	_ =	swait.ge [sflag:s12], $0x8000  }
0x13: {  	[sflag:s12] =	ssyncset.done $0x0  }
0x14: {  	s15 =	simm.s32 $0x0;
	[sflag:s12] =	ssyncadd.s32 $0xFFFF8000  }
0x15: {  	v1 =	vld [tilespmem:s15+$0x20]  }
0x16: {  	v2 =	vld [tilespmem:s15+$0x8020]  }
0x17: {  	v3 =	vld [tilespmem:s15+$0x0]  }
0x18: {  	v4 =	vld [tilespmem:s15+$0x30]  }
0x19: {  	v5 =	vld [tilespmem:s15+$0x10]  }
0x1a: {  	v6 =	vld [tilespmem:s15+$0x8030]  }
0x1b: {  	v7 =	vld [tilespmem:s15+$0x8010]  }
0x1c: {  	v8 =	vld [tilespmem:s15+$0x8000];
	v1 =	vsub.f32 $0.0e+00, v1  }
0x1d: {  	v4 =	vsub.f32 $0.0e+00, v4  }
0x1e: {  	v5 =	vsub.f32 $0.0e+00, v5;
	(xrf1) =	vsort.ascd.msk.f32 $0xffff, v1, v2;
	v2 =	vld [tilespmem:s15+$0x50]  }
0x1f: {  	v1 =	vsub.f32 $0.0e+00, v3;
	v3 =	vld [tilespmem:s15+$0x40];
	(xrf1) =	vsort.ascd.msk.f32 $0xffff, v4, v6  }
0x20: {  	v4 =	vld [tilespmem:s15+$0x8050];
	(xrf1) =	vsort.ascd.msk.f32 $0xffff, v5, v7  }
0x21: {  	v6 =	vld [tilespmem:s15+$0x70];
	(xrf1) =	vsort.ascd.msk.f32 $0xffff, v1, v8  }
0x22: {  	v5 =	vld [tilespmem:s15+$0x8040]  }
0x23: {  	v1 =	vld [tilespmem:s15+$0x60];
	_ =	sdelay $0x1  }
0x24: {  	v2 =	vsub.f32 $0.0e+00, v2  }
0x25: {  	v3 =	vsub.f32 $0.0e+00, v3  }
0x26: {  	v7 =	vld [tilespmem:s15+$0x8060];
	(xrf1) =	vsort.ascd.msk.f32 $0xffff, v2, v4  }
0x27: {  	v2 =	vld [tilespmem:s15+$0x8070];
	v1 =	vsub.f32 $0.0e+00, v1;
	(xrf1) =	vsort.ascd.msk.f32 $0xffff, v3, v5;
	v3 =	vsub.f32 $0.0e+00, v6;
	_ =	sdelay $0x3  }
0x28: {  	(xrf1) =	vsort.ascd.msk.f32 $0xffff, v1, v7;
	v1, v4, _ =	vpop (xrf1)  }
0x29: {  	(xrf1) =	vsort.ascd.msk.f32 $0xffff, v3, v2;
	v2, v3, _ =	vpop (xrf1)  }
0x2a: {  	v2 =	vperm.xlane v2, v0;
	v5, v6, _ =	vpop (xrf1)  }
0x2b: {  	v3 =	vperm.xlane v3, v0;
	v7, v8, _ =	vpop (xrf1)  }
0x2c: {  	v7 =	vperm.xlane v7, v0;
	vm0 =	vlt.f32 v1, v2  }
0x2d: {  	v8 =	vperm.xlane v8, v0;
	v9 =	vsel vm0, v3, v4;
	v10 =	vsel vm0, v1, v2  }
0x2e: {  	v3 =	vsel vm0, v4, v3;
	v1 =	vsel vm0, v2, v1;
	vm1 =	vgt.f32 v7, v5  }
0x2f: {  	(xrf1) =	vsort.ascd.msk.f32 $0xffff, v10, v3;
	v3 =	vsel vm1, v8, v6  }
0x30: {  	v2 =	vsel vm1, v7, v5  }
0x31: {  	(xrf1) =	vsort.ascd.msk.f32 $0xffff, v1, v9;
	v5 =	vsel vm1, v5, v7;
	v1, v4, _ =	vpop (xrf1)  }
0x32: {  	v6 =	vsel vm1, v6, v8;
	(xrf1) =	vsort.ascd.msk.f32 $0xffff, v2, v3;
	v1 =	vperm.xlane v1, v0  }
0x33: {  	(xrf1) =	vsort.ascd.msk.f32 $0xffff, v5, v6;
	v4 =	vperm.xlane v4, v0;
	v2, v3, _ =	vpop (xrf1)  }
0x34: {  	vm0 =	vlt.f32 v2, v1  }
0x35: {  	v7 =	vsel vm0, v1, v2;
	v1 =	vsel vm0, v2, v1;
	v2 =	vsel vm0, v3, v4  }
0x36: {  	v5, v6, _ =	vpop (xrf1)  }
0x37: {  	v5 =	vperm.xlane v5, v0  }
0x38: {  	v3 =	vsel vm0, v4, v3;
	(xrf1) =	vsort.ascd.msk.f32 $0xffff, v1, v2;
	v2, v4, _ =	vpop (xrf1)  }
0x39: {  	v1 =	vperm.xlane v6, v0;
	vm0 =	vgt.f32 v5, v2  }
0x3a: {  	(xrf1) =	vsort.ascd.msk.f32 $0xffff, v7, v3;
	v3 =	vsel vm0, v2, v5;
	v2 =	vsel vm0, v5, v2  }
0x3b: {  	v6 =	vsel vm0, v4, v1;
	v1 =	vsel vm0, v1, v4  }
0x3c: {  	(xrf1) =	vsort.ascd.msk.f32 $0xffff, v3, v6  }
0x3d: {  	(xrf1) =	vsort.ascd.msk.f32 $0xffff, v2, v1  }
0x3e: {  	v1, v2, _ =	vpop (xrf1)  }
0x3f: {  	v3, v4, _ =	vpop (xrf1)  }
0x40: {  	v1 =	vperm.xlane v1, v0;
	v3 =	vperm.xlane v3, v0;
	v5, v6, _ =	vpop (xrf1)  }
0x41: {  	v2 =	vperm.xlane v2, v0;
	v7, v8, _ =	vpop (xrf1)  }
0x42: {  	v4 =	vperm.xlane v4, v0;
	vm0 =	vlt.f32 v5, v1;
	vm1 =	vlt.f32 v7, v3  }
0x43: {  	v9 =	vsel vm0, v5, v1;
	v10 =	vsel vm0, v6, v2;
	v1 =	vsel vm0, v1, v5  }
0x44: {  	v2 =	vsel vm0, v2, v6;
	v11 =	vsel vm1, v3, v7;
	v3 =	vsel vm1, v7, v3  }
0x45: {  	v5 =	vsel vm1, v4, v8;
	vm2 =	vlt.f32 v11, v1;
	vm3 =	vlt.f32 v3, v9  }
0x46: {  	v4 =	vsel vm1, v8, v4;
	v6 =	vsel vm2, v1, v11;
	v7 =	vsel vm3, v3, v9  }
0x47: {  	v12, v13, _ =	vpop (xrf1);
	v1 =	vsel vm2, v11, v1;
	v3 =	vsel vm3, v9, v3;
	v11 =	vsel vm3, v10, v4  }
0x48: {  	v4 =	vsel vm3, v4, v10;
	v10 =	vperm.xlane v12, v0;
	v12 =	vsel vm2, v5, v2  }
0x49: {  	v2 =	vsel vm2, v2, v5;
	v8, v9, _ =	vpop (xrf1);
	(xrf1) =	vsort.ascd.msk.f32 $0xffff, v1, v12  }
0x4a: {  	v8 =	vperm.xlane v8, v0;
	v5 =	vperm.xlane v9, v0;
	(xrf1) =	vsort.ascd.msk.f32 $0xffff, v3, v11;
	v1, v9, _ =	vpop (xrf1)  }
0x4b: {  	v12 =	vperm.xlane v13, v0;
	(xrf1) =	vsort.ascd.msk.f32 $0xffff, v7, v4;
	v3, v11, _ =	vpop (xrf1)  }
0x4c: {  	(xrf1) =	vsort.ascd.msk.f32 $0xffff, v6, v2;
	vm0 =	vgt.f32 v8, v1;
	vm1 =	vgt.f32 v10, v3  }
0x4d: {  	v4 =	vsel vm0, v1, v8;
	v1 =	vsel vm0, v8, v1;
	v8 =	vsel vm0, v9, v5  }
0x4e: {  	v5 =	vsel vm0, v5, v9;
	v7 =	vsel vm1, v11, v12;
	v9 =	vsel vm1, v10, v3  }
0x4f: {  	v11 =	vsel vm1, v12, v11;
	v2 =	vsel vm1, v3, v10;
	vm0 =	vgt.f32 v1, v9  }
0x50: {  	vm1 =	vgt.f32 v4, v2;
	v3 =	vsel vm0, v11, v5;
	v6 =	vsel vm0, v9, v1  }
0x51: {  	v5 =	vsel vm0, v5, v11;
	v1 =	vsel vm0, v1, v9;
	(xrf1) =	vsort.ascd.msk.f32 $0xffff, v6, v3  }
0x52: {  	v3 =	vsel vm1, v4, v2;
	v6 =	vsel vm1, v8, v7;
	(xrf1) =	vsort.ascd.msk.f32 $0xffff, v1, v5  }
0x53: {  	v1 =	vsel vm1, v2, v4;
	v2 =	vsel vm1, v7, v8;
	(xrf1) =	vsort.ascd.msk.f32 $0xffff, v3, v6  }
0x54: {  	(xrf1) =	vsort.ascd.msk.f32 $0xffff, v1, v2;
	_ =	sdelay $0x6  }
0x55: {  	v1, v2, _ =	vpop (xrf1)  }
0x56: {  	v3, v4, _ =	vpop (xrf1);
	v9 =	vperm.xlane v1, v0  }
0x57: {  	v5 =	vperm.xlane v2, v0;
	v1, v8, _ =	vpop (xrf1);
	v3 =	vperm.xlane v3, v0  }
0x58: {  	v6 =	vperm.xlane v4, v0;
	v2, v10, _ =	vpop (xrf1);
	v4 =	vperm.xlane v1, v0  }
0x59: {  	v11, v7, _ =	vpop (xrf1)  }
0x5a: {  	v12 =	vperm.xlane v8, v0;
	v18 =	vperm.xlane v10, v0;
	vm1 =	vgt.f32 v3, v11;
	v10, v16, _ =	vpop (xrf1)  }
0x5b: {  	v19 =	vperm.xlane v2, v0;
	v1 =	vsel vm1, v3, v11;
	vm4 =	vgt.f32 v4, v10;
	v20, v17, _ =	vpop (xrf1)  }
0x5c: {  	vm5 =	vgt.f32 v9, v20;
	v8 =	vsel vm4, v10, v4;
	v14 =	vsel vm4, v4, v10;
	v4, v21, _ =	vpop (xrf1)  }
0x5d: {  	v2 =	vsel vm1, v6, v7;
	vm0 =	vgt.f32 v19, v4;
	v15 =	vsel vm5, v20, v9  }
0x5e: {  	v13 =	vsel vm1, v11, v3;
	v10 =	vsel vm0, v4, v19;
	vm3 =	vgt.f32 v15, v8  }
0x5f: {  	v11 =	vsel vm0, v21, v18;
	v3 =	vsel vm0, v19, v4;
	v4 =	vsel vm0, v18, v21  }
0x60: {  	v18 =	vsel vm5, v9, v20;
	v19 =	vsel vm5, v5, v17;
	vm2 =	vgt.f32 v10, v13  }
0x61: {  	s16 =	simm.s32 $0x200;
	vm0 =	vgt.f32 v3, v1;
	vm6 =	vgt.f32 v18, v14;
	v9 =	vsel vm2, v10, v13  }
.LBB2_2:
0x62: {  	p0 =	sne.s32 s16, $0x1FE00;
	v20 =	vsel vm4, v12, v16;
	v21 =	vsel vm0, v1, v3;
	v22 =	vsel vm6, v14, v18;
	s17 =	smov.u32 s16;
	s16 =	sadd.s32 $0x200, s16  }
0x63: {  	v23 =	vsel vm0, v2, v4;
	v24 =	vsel vm6, v20, v19;
	vm7 =	vgt.f32 v21, v22  }
0x64: {  	v25 =	vsel vm7, v22, v21;
	v21 =	vsel vm7, v21, v22;
	v22 =	vsel vm7, v23, v24  }
0x65: {  	v5 =	vsel vm5, v17, v5;
	v12 =	vsel vm4, v16, v12;
	(xrf1) =	vsort.ascd.msk.f32 $0xffff, v21, v22  }
0x66: {  	v6 =	vsel vm1, v7, v6;
	v7 =	vsel vm6, v19, v20;
	_ =	sdelay $0x8  }
0x67: {  	v16 =	vsel vm3, v12, v5;
	v5 =	vsel vm3, v5, v12;
	v12 =	vsel vm6, v18, v14  }
0x68: {  	v14 =	vsel vm3, v8, v15;
	v8 =	vsel vm3, v15, v8;
	v15 =	vsel vm7, v24, v23  }
0x69: {  	v18 =	vsel vm2, v11, v6;
	vm1 =	vgt.f32 v9, v8;
	(xrf1) =	vsort.ascd.msk.f32 $0xffff, v25, v15  }
0x6a: {  	v10 =	vsel vm2, v13, v10;
	v13 =	vsel vm1, v5, v18;
	v5 =	vsel vm1, v18, v5  }
0x6b: {  	v6 =	vsel vm2, v6, v11;
	vm2 =	vgt.f32 v10, v14;
	v11 =	vsel vm1, v9, v8;
	v15, v17, _ =	vpop (xrf1)  }
0x6c: {  	v18 =	vsel vm2, v6, v16;
	v8 =	vsel vm1, v8, v9;
	[tilespmem:s15+$0x50] =	vst v15;
	(xrf1) =	vsort.ascd.msk.f32 $0xffff, v11, v5  }
0x6d: {  	v6 =	vsel vm2, v16, v6;
	v5 =	vsel vm2, v14, v10;
	[tilespmem:s15+$0x8050] =	vst v17;
	(xrf1) =	vsort.ascd.msk.f32 $0xffff, v8, v13  }
0x6e: {  	v1 =	vsel vm0, v3, v1;
	v8 =	vsel vm2, v10, v14;
	(xrf1) =	vsort.ascd.msk.f32 $0xffff, v5, v6  }
0x6f: {  	v2 =	vsel vm0, v4, v2;
	vm0 =	vgt.f32 v1, v12;
	(xrf1) =	vsort.ascd.msk.f32 $0xffff, v8, v18  }
0x70: {  	v3 =	vsel vm0, v12, v1;
	v4 =	vsel vm0, v7, v2;
	v1 =	vsel vm0, v1, v12  }
0x71: {  	v2 =	vsel vm0, v2, v7;
	(xrf1) =	vsort.ascd.msk.f32 $0xffff, v3, v4  }
0x72: {  	(xrf1) =	vsort.ascd.msk.f32 $0xffff, v1, v2;
	_ =	sdelay $0x4  }
0x73: {  	v1, v2, _ =	vpop (xrf1)  }
0x74: {  	[tilespmem:s15+$0x40] =	vst v1  }
0x75: {  	[tilespmem:s15+$0x8040] =	vst v2  }
0x76: {  	v1, v2, _ =	vpop (xrf1)  }
0x77: {  	[tilespmem:s15+$0x30] =	vst v1;
	v1, v3, _ =	vpop (xrf1)  }
0x78: {  	[tilespmem:s15+$0x8030] =	vst v2;
	v2, v4, _ =	vpop (xrf1)  }
0x79: {  	[tilespmem:s15+$0x20] =	vst v1;
	v1, v5, _ =	vpop (xrf1)  }
0x7a: {  	[tilespmem:s15+$0x8000] =	vst v4  }
0x7b: {  	[tilespmem:s15+$0x8020] =	vst v3;
	v3, v4, _ =	vpop (xrf1)  }
0x7c: {  	[tilespmem:s15+$0x8060] =	vst v4;
	v4, v6, _ =	vpop (xrf1)  }
0x7d: {  	s17 =	sshra.s32 s17, $0x2;
	[tilespmem:s15+$0x10] =	vst v1  }
0x7e: {  	v1 =	vld [tilespmem:s17+$0x20];
	[tilespmem:s15+$0x8010] =	vst v5  }
0x7f: {  	v5 =	vld [tilespmem:s17+$0x8020];
	[tilespmem:s15+$0x0] =	vst v2  }
0x80: {  	v2 =	vld [tilespmem:s17+$0x0];
	[tilespmem:s15+$0x60] =	vst v3  }
0x81: {  	v3 =	vld [tilespmem:s17+$0x30];
	[tilespmem:s15+$0x8070] =	vst v6  }
0x82: {  	v6 =	vld [tilespmem:s17+$0x10];
	[tilespmem:s15+$0x70] =	vst v4;
	s15 =	smov.u32 s17  }
0x83: {  	v4 =	vld [tilespmem:s15+$0x8030]  }
0x84: {  	v7 =	vld [tilespmem:s15+$0x8010]  }
0x85: {  	v1 =	vsub.f32 $0.0e+00, v1;
	v2 =	vsub.f32 $0.0e+00, v2;
	v8 =	vld [tilespmem:s15+$0x8000]  }
0x86: {  	v3 =	vsub.f32 $0.0e+00, v3;
	v9 =	vld [tilespmem:s15+$0x40]  }
0x87: {  	v6 =	vsub.f32 $0.0e+00, v6;
	v10 =	vld [tilespmem:s15+$0x50];
	(xrf1) =	vsort.ascd.msk.f32 $0xffff, v1, v5  }
0x88: {  	v1 =	vld [tilespmem:s15+$0x70];
	(xrf1) =	vsort.ascd.msk.f32 $0xffff, v3, v4  }
0x89: {  	v3 =	vld [tilespmem:s15+$0x8050];
	(xrf1) =	vsort.ascd.msk.f32 $0xffff, v6, v7  }
0x8a: {  	(xrf1) =	vsort.ascd.msk.f32 $0xffff, v2, v8  }
0x8b: {  	v2 =	vsub.f32 $0.0e+00, v9;
	v4 =	vld [tilespmem:s15+$0x60]  }
0x8c: {  	v5 =	vld [tilespmem:s15+$0x8040];
	v6 =	vsub.f32 $0.0e+00, v10  }
0x8d: {  	v7 =	vld [tilespmem:s15+$0x8060];
	v1 =	vsub.f32 $0.0e+00, v1  }
0x8e: {  	(xrf1) =	vsort.ascd.msk.f32 $0xffff, v6, v3;
	_ =	sdelay $0x1  }
0x8f: {  	v3 =	vsub.f32 $0.0e+00, v4;
	v4 =	vld [tilespmem:s15+$0x8070]  }
0x90: {  	(xrf1) =	vsort.ascd.msk.f32 $0xffff, v2, v5  }
0x91: {  	(xrf1) =	vsort.ascd.msk.f32 $0xffff, v3, v7;
	_ =	sdelay $0x2  }
0x92: {  	v2, v3, _ =	vpop (xrf1);
	(xrf1) =	vsort.ascd.msk.f32 $0xffff, v1, v4  }
0x93: {  	v1, v4, _ =	vpop (xrf1)  }
0x94: {  	v1 =	vperm.xlane v1, v0;
	v5, v6, _ =	vpop (xrf1)  }
0x95: {  	v12 =	vperm.xlane v4, v0;
	v7, v8, _ =	vpop (xrf1)  }
0x96: {  	v7 =	vperm.xlane v7, v0;
	v8 =	vperm.xlane v8, v0;
	vm0 =	vlt.f32 v2, v1  }
0x97: {  	v9 =	vsel vm0, v12, v3;
	v10 =	vsel vm0, v2, v1;
	v3 =	vsel vm0, v3, v12  }
0x98: {  	v11 =	vsel vm0, v1, v2;
	vm1 =	vgt.f32 v7, v5;
	(xrf1) =	vsort.ascd.msk.f32 $0xffff, v10, v3  }
0x99: {  	v2 =	vsel vm1, v7, v5;
	v3 =	vsel vm1, v8, v6;
	(xrf1) =	vsort.ascd.msk.f32 $0xffff, v11, v9;
	v1, v4, _ =	vpop (xrf1)  }
0x9a: {  	v5 =	vsel vm1, v5, v7;
	v7 =	vsel vm1, v6, v8;
	(xrf1) =	vsort.ascd.msk.f32 $0xffff, v2, v3  }
0x9b: {  	v1 =	vperm.xlane v1, v0;
	(xrf1) =	vsort.ascd.msk.f32 $0xffff, v5, v7  }
0x9c: {  	v2 =	vperm.xlane v4, v0;
	v3, v4, _ =	vpop (xrf1)  }
0x9d: {  	vm0 =	vlt.f32 v3, v1;
	v5, v6, _ =	vpop (xrf1)  }
0x9e: {  	v7 =	vsel vm0, v1, v3;
	v1 =	vsel vm0, v3, v1;
	v9 =	vsel vm0, v4, v2  }
0x9f: {  	v8 =	vsel vm0, v2, v4;
	v4 =	vperm.xlane v5, v0;
	(xrf1) =	vsort.ascd.msk.f32 $0xffff, v1, v9  }
0xa0: {  	v1 =	vperm.xlane v6, v0;
	(xrf1) =	vsort.ascd.msk.f32 $0xffff, v7, v8;
	v2, v3, _ =	vpop (xrf1)  }
0xa1: {  	vm0 =	vgt.f32 v4, v2  }
0xa2: {  	v5 =	vsel vm0, v2, v4;
	v6 =	vsel vm0, v3, v1;
	v2 =	vsel vm0, v4, v2  }
0xa3: {  	v1 =	vsel vm0, v1, v3;
	(xrf1) =	vsort.ascd.msk.f32 $0xffff, v5, v6  }
0xa4: {  	(xrf1) =	vsort.ascd.msk.f32 $0xffff, v2, v1;
	_ =	sdelay $0x1  }
0xa5: {  	v1, v2, _ =	vpop (xrf1)  }
0xa6: {  	v1 =	vperm.xlane v1, v0;
	v3, v4, _ =	vpop (xrf1)  }
0xa7: {  	v2 =	vperm.xlane v2, v0;
	v3 =	vperm.xlane v3, v0;
	v5, v6, _ =	vpop (xrf1)  }
0xa8: {  	v4 =	vperm.xlane v4, v0;
	vm0 =	vlt.f32 v5, v1;
	v7, v8, _ =	vpop (xrf1)  }
0xa9: {  	vm1 =	vlt.f32 v7, v3;
	v9 =	vsel vm0, v5, v1;
	v10 =	vsel vm0, v6, v2  }
0xaa: {  	v1 =	vsel vm0, v1, v5;
	v11 =	vsel vm1, v3, v7;
	v3 =	vsel vm1, v7, v3  }
0xab: {  	v5 =	vsel vm1, v4, v8;
	vm2 =	vlt.f32 v11, v1;
	vm3 =	vlt.f32 v3, v9  }
0xac: {  	v2 =	vsel vm0, v2, v6;
	v6 =	vsel vm2, v1, v11;
	v7 =	vsel vm3, v3, v9;
	v12, v13, _ =	vpop (xrf1)  }
0xad: {  	v4 =	vsel vm1, v8, v4;
	v1 =	vsel vm2, v11, v1;
	v3 =	vsel vm3, v9, v3;
	v8, v9, _ =	vpop (xrf1)  }
0xae: {  	v15 =	vsel vm3, v10, v4;
	v4 =	vsel vm3, v4, v10;
	v10 =	vperm.xlane v12, v0  }
0xaf: {  	v14 =	vsel vm2, v5, v2;
	v12 =	vsel vm2, v2, v5;
	v5 =	vperm.xlane v8, v0  }
0xb0: {  	v8 =	vperm.xlane v9, v0;
	v9 =	vperm.xlane v13, v0;
	(xrf1) =	vsort.ascd.msk.f32 $0xffff, v1, v14;
	v1, v2, _ =	vpop (xrf1)  }
0xb1: {  	vm0 =	vgt.f32 v5, v1;
	(xrf1) =	vsort.ascd.msk.f32 $0xffff, v3, v15;
	v3, v11, _ =	vpop (xrf1)  }
0xb2: {  	vm1 =	vgt.f32 v10, v3;
	(xrf1) =	vsort.ascd.msk.f32 $0xffff, v7, v4  }
0xb3: {  	v4 =	vsel vm0, v1, v5;
	v1 =	vsel vm0, v5, v1;
	v5 =	vsel vm1, v11, v9  }
0xb4: {  	v7 =	vsel vm0, v2, v8;
	v2 =	vsel vm0, v8, v2;
	v8 =	vsel vm1, v10, v3  }
0xb5: {  	v9 =	vsel vm1, v9, v11;
	vm0 =	vgt.f32 v1, v8;
	(xrf1) =	vsort.ascd.msk.f32 $0xffff, v6, v12  }
0xb6: {  	v3 =	vsel vm1, v3, v10;
	v6 =	vsel vm0, v9, v2;
	v2 =	vsel vm0, v2, v9  }
0xb7: {  	vm1 =	vgt.f32 v4, v3;
	v9 =	vsel vm0, v8, v1;
	v1 =	vsel vm0, v1, v8  }
0xb8: {  	v8 =	vsel vm1, v3, v4;
	v10 =	vsel vm1, v5, v7;
	(xrf1) =	vsort.ascd.msk.f32 $0xffff, v9, v6  }
0xb9: {  	v3 =	vsel vm1, v4, v3;
	v4 =	vsel vm1, v7, v5;
	(xrf1) =	vsort.ascd.msk.f32 $0xffff, v1, v2  }
0xba: {  	(xrf1) =	vsort.ascd.msk.f32 $0xffff, v3, v4  }
0xbb: {  	(xrf1) =	vsort.ascd.msk.f32 $0xffff, v8, v10;
	_ =	sdelay $0x2  }
0xbc: {  	v1, v2, _ =	vpop (xrf1)  }
0xbd: {  	v9 =	vperm.xlane v1, v0;
	v1, v3, _ =	vpop (xrf1)  }
0xbe: {  	v5 =	vperm.xlane v2, v0;
	v4 =	vperm.xlane v1, v0;
	v1, v2, _ =	vpop (xrf1)  }
0xbf: {  	v6 =	vperm.xlane v3, v0  }
0xc0: {  	v3 =	vperm.xlane v1, v0  }
0xc1: {  	v1, v8, _ =	vpop (xrf1);
	_ =	sdelay $0x1  }
0xc2: {  	v12 =	vperm.xlane v2, v0  }
0xc3: {  	v11, v7, _ =	vpop (xrf1)  }
0xc4: {  	v18 =	vperm.xlane v8, v0;
	vm1 =	vgt.f32 v4, v11;
	v2, v16, _ =	vpop (xrf1)  }
0xc5: {  	v19 =	vperm.xlane v1, v0;
	v1 =	vsel vm1, v4, v11;
	vm4 =	vgt.f32 v3, v2;
	v20, v17, _ =	vpop (xrf1)  }
0xc6: {  	vm5 =	vgt.f32 v9, v20;
	v8 =	vsel vm4, v2, v3;
	v14 =	vsel vm4, v3, v2;
	v3, v21, _ =	vpop (xrf1)  }
.Ltmp0:
0xc7: {  	v2 =	vsel vm1, v6, v7;
	vm0 =	vgt.f32 v19, v3;
	v15 =	vsel vm5, v20, v9;
	(pc) =	sbr.rel @p0 .LBB2_2-.Ltmp0, $4  }
0xc8: {  	v13 =	vsel vm1, v11, v4;
	v10 =	vsel vm0, v3, v19;
	vm3 =	vgt.f32 v15, v8  }
0xc9: {  	v11 =	vsel vm0, v21, v18;
	v3 =	vsel vm0, v19, v3;
	vm2 =	vgt.f32 v10, v13  }
0xca: {  	v4 =	vsel vm0, v18, v21;
	v18 =	vsel vm5, v9, v20;
	v9 =	vsel vm2, v10, v13  }
0xcb: {  	v19 =	vsel vm5, v5, v17;
	vm0 =	vgt.f32 v3, v1;
	vm6 =	vgt.f32 v18, v14  }
0xcc: {  	v20 =	vsel vm0, v1, v3;
	v21 =	vsel vm6, v14, v18  }
0xcd: {  	v22 =	vsel vm4, v12, v16;
	v23 =	vsel vm0, v2, v4;
	v5 =	vsel vm5, v17, v5  }
0xce: {  	v12 =	vsel vm4, v16, v12;
	v6 =	vsel vm1, v7, v6;
	v10 =	vsel vm2, v13, v10  }
0xcf: {  	vm7 =	vgt.f32 v20, v21;
	v24 =	vsel vm6, v22, v19;
	v16 =	vsel vm3, v12, v5  }
0xd0: {  	v25 =	vsel vm7, v21, v20;
	v20 =	vsel vm7, v20, v21;
	v62 =	vsel vm7, v23, v24  }
0xd1: {  	v5 =	vsel vm3, v5, v12;
	v12 =	vsel vm6, v18, v14;
	(xrf1) =	vsort.ascd.msk.f32 $0xffff, v20, v62  }
0xd2: {  	v14 =	vsel vm3, v8, v15;
	v8 =	vsel vm3, v15, v8;
	v15 =	vsel vm7, v24, v23  }
0xd3: {  	v17 =	vsel vm2, v11, v6;
	vm1 =	vgt.f32 v9, v8;
	(xrf1) =	vsort.ascd.msk.f32 $0xffff, v25, v15  }
0xd4: {  	v6 =	vsel vm2, v6, v11;
	v13 =	vsel vm1, v17, v5;
	v11 =	vsel vm1, v9, v8  }
0xd5: {  	(xrf1) =	vsort.ascd.msk.f32 $0xffff, v11, v13  }
0xd6: {  	v5 =	vsel vm1, v5, v17;
	v8 =	vsel vm1, v8, v9  }
0xd7: {  	vm2 =	vgt.f32 v10, v14;
	(xrf1) =	vsort.ascd.msk.f32 $0xffff, v8, v5  }
0xd8: {  	v9 =	vsel vm2, v14, v10;
	v15 =	vsel vm2, v6, v16;
	v6 =	vsel vm2, v16, v6  }
0xd9: {  	v1 =	vsel vm0, v3, v1;
	v2 =	vsel vm0, v4, v2;
	(xrf1) =	vsort.ascd.msk.f32 $0xffff, v9, v6  }
0xda: {  	v7 =	vsel vm6, v19, v22;
	vm0 =	vgt.f32 v1, v12;
	v5 =	vsel vm2, v10, v14  }
0xdb: {  	v4 =	vsel vm0, v7, v2;
	(xrf1) =	vsort.ascd.msk.f32 $0xffff, v5, v15  }
0xdc: {  	v3 =	vsel vm0, v12, v1  }
0xdd: {  	v2 =	vsel vm0, v2, v7;
	(xrf1) =	vsort.ascd.msk.f32 $0xffff, v3, v4  }
0xde: {  	v1 =	vsel vm0, v1, v12  }
0xdf: {  	(xrf1) =	vsort.ascd.msk.f32 $0xffff, v1, v2;
	v3, v4, _ =	vpop (xrf1)  }
0xe0: {  	[tilespmem:s15+$0x50] =	vst v3  }
0xe1: {  	[tilespmem:s15+$0x8050] =	vst v4;
	v1, v2, _ =	vpop (xrf1)  }
0xe2: {  	[tilespmem:s15+$0x40] =	vst v1  }
0xe3: {  	[tilespmem:s15+$0x8040] =	vst v2;
	v1, v2, _ =	vpop (xrf1)  }
0xe4: {  	[tilespmem:s15+$0x30] =	vst v1  }
0xe5: {  	v1, v3, _ =	vpop (xrf1);
	[tilespmem:s15+$0x8030] =	vst v2  }
0xe6: {  	[tilespmem:s15+$0x20] =	vst v1  }
0xe7: {  	v2, v4, _ =	vpop (xrf1);
	[tilespmem:s15+$0x8020] =	vst v3  }
0xe8: {  	[tilespmem:s15+$0x8000] =	vst v4  }
0xe9: {  	v1, v5, _ =	vpop (xrf1);
	[tilespmem:s15+$0x0] =	vst v2  }
0xea: {  	[tilespmem:s15+$0x10] =	vst v1  }
0xeb: {  	v3, v4, _ =	vpop (xrf1);
	[tilespmem:s15+$0x8010] =	vst v5  }
0xec: {  	[tilespmem:s15+$0x8060] =	vst v4  }
0xed: {  	v1, v2, _ =	vpop (xrf1);
	[tilespmem:s15+$0x60] =	vst v3  }
0xee: {  	[tilespmem:s15+$0x8070] =	vst v2  }
0xef: {  	s31 =	simm.s32 $0x0;
	[tilespmem:s15+$0x70] =	vst v1  }
0xf0: {  	[hbm4b:s5+s31] =	stream.linear.scatter [tilespmem:s31], [sflag:$0x1], $0x8000, $0x38;
	[tilespmem:$0x10000] =	vst v63  }
0xf1: {  	_ =	swait.ge [sflag:s12], $0x8000  }
0xf2: {  	[sflag:s12] =	ssyncset.done $0x0  }
0xf3: {  	[sflag:s12] =	ssyncadd.s32 $0xFFFF8000  }
0xf4: {  	[hbm4b:s6+s31] =	stream.linear.scatter [tilespmem:s13], [sflag:$0x1], $0x8000, $0x38;
	[tilespmem:$0x10000] =	vst v63  }
0xf5: {  	_ =	swait.ge [sflag:s12], $0x8000  }
0xf6: {  	[sflag:s12] =	ssyncset.done $0x0  }
0xf7: {  	[sflag:s12] =	ssyncadd.s32 $0xFFFF8000  }
0xf8: {  	[tilespmem:s31], [sflag:$0x1] =	stream.linear.gather [hbm4b:s7+s31], $0x8000, $0x38;
	[tilespmem:$0x10000] =	vst v63  }
0xf9: {  	_ =	swait.ge [sflag:s12], $0x8000  }
0xfa: {  	[sflag:s12] =	ssyncset.done $0x0  }
0xfb: {  	[sflag:s12] =	ssyncadd.s32 $0xFFFF8000  }
0xfc: {  	[tilespmem:s13], [sflag:$0x1] =	stream.linear.gather [hbm4b:s8+s31], $0x8000, $0x38;
	[tilespmem:$0x10000] =	vst v63  }
0xfd: {  	_ =	swait.ge [sflag:s12], $0x8000  }
0xfe: {  	[sflag:s12] =	ssyncset.done $0x0  }
0xff: {  	s15 =	simm.s32 $0x0;
	[sflag:s12] =	ssyncadd.s32 $0xFFFF8000  }
0x100: {  	v1 =	vld [tilespmem:s15+$0x20]  }
0x101: {  	v2 =	vld [tilespmem:s15+$0x8020]  }
0x102: {  	v3 =	vld [tilespmem:s15+$0x0]  }
0x103: {  	v4 =	vld [tilespmem:s15+$0x30]  }
0x104: {  	v5 =	vld [tilespmem:s15+$0x10]  }
0x105: {  	v6 =	vld [tilespmem:s15+$0x8030]  }
0x106: {  	v7 =	vld [tilespmem:s15+$0x8010]  }
0x107: {  	v8 =	vld [tilespmem:s15+$0x8000];
	v1 =	vsub.f32 $0.0e+00, v1  }
0x108: {  	v4 =	vsub.f32 $0.0e+00, v4  }
0x109: {  	v5 =	vsub.f32 $0.0e+00, v5;
	(xrf1) =	vsort.ascd.msk.f32 $0xffff, v1, v2;
	v2 =	vld [tilespmem:s15+$0x50]  }
0x10a: {  	v1 =	vsub.f32 $0.0e+00, v3;
	v3 =	vld [tilespmem:s15+$0x40];
	(xrf1) =	vsort.ascd.msk.f32 $0xffff, v4, v6  }
0x10b: {  	v4 =	vld [tilespmem:s15+$0x8050];
	(xrf1) =	vsort.ascd.msk.f32 $0xffff, v5, v7  }
0x10c: {  	v6 =	vld [tilespmem:s15+$0x70];
	(xrf1) =	vsort.ascd.msk.f32 $0xffff, v1, v8  }
0x10d: {  	v5 =	vld [tilespmem:s15+$0x8040]  }
0x10e: {  	v1 =	vld [tilespmem:s15+$0x60];
	_ =	sdelay $0x1  }
0x10f: {  	v2 =	vsub.f32 $0.0e+00, v2  }
0x110: {  	v3 =	vsub.f32 $0.0e+00, v3  }
0x111: {  	v7 =	vld [tilespmem:s15+$0x8060];
	(xrf1) =	vsort.ascd.msk.f32 $0xffff, v2, v4  }
0x112: {  	v2 =	vld [tilespmem:s15+$0x8070];
	v1 =	vsub.f32 $0.0e+00, v1;
	(xrf1) =	vsort.ascd.msk.f32 $0xffff, v3, v5;
	v3 =	vsub.f32 $0.0e+00, v6;
	_ =	sdelay $0x3  }
0x113: {  	(xrf1) =	vsort.ascd.msk.f32 $0xffff, v1, v7;
	v1, v4, _ =	vpop (xrf1)  }
0x114: {  	(xrf1) =	vsort.ascd.msk.f32 $0xffff, v3, v2;
	v2, v3, _ =	vpop (xrf1)  }
0x115: {  	v2 =	vperm.xlane v2, v0;
	v5, v6, _ =	vpop (xrf1)  }
0x116: {  	v3 =	vperm.xlane v3, v0;
	v7, v8, _ =	vpop (xrf1)  }
0x117: {  	v7 =	vperm.xlane v7, v0;
	vm0 =	vlt.f32 v1, v2  }
0x118: {  	v8 =	vperm.xlane v8, v0;
	v9 =	vsel vm0, v3, v4;
	v10 =	vsel vm0, v1, v2  }
0x119: {  	v3 =	vsel vm0, v4, v3;
	v1 =	vsel vm0, v2, v1;
	vm1 =	vgt.f32 v7, v5  }
0x11a: {  	(xrf1) =	vsort.ascd.msk.f32 $0xffff, v10, v3;
	v3 =	vsel vm1, v8, v6  }
0x11b: {  	v2 =	vsel vm1, v7, v5  }
0x11c: {  	(xrf1) =	vsort.ascd.msk.f32 $0xffff, v1, v9;
	v5 =	vsel vm1, v5, v7;
	v1, v4, _ =	vpop (xrf1)  }
0x11d: {  	v6 =	vsel vm1, v6, v8;
	(xrf1) =	vsort.ascd.msk.f32 $0xffff, v2, v3;
	v1 =	vperm.xlane v1, v0  }
0x11e: {  	(xrf1) =	vsort.ascd.msk.f32 $0xffff, v5, v6;
	v4 =	vperm.xlane v4, v0;
	v2, v3, _ =	vpop (xrf1)  }
0x11f: {  	vm0 =	vlt.f32 v2, v1  }
0x120: {  	v7 =	vsel vm0, v1, v2;
	v1 =	vsel vm0, v2, v1;
	v2 =	vsel vm0, v3, v4  }
0x121: {  	v5, v6, _ =	vpop (xrf1)  }
0x122: {  	v5 =	vperm.xlane v5, v0  }
0x123: {  	v3 =	vsel vm0, v4, v3;
	(xrf1) =	vsort.ascd.msk.f32 $0xffff, v1, v2;
	v2, v4, _ =	vpop (xrf1)  }
0x124: {  	v1 =	vperm.xlane v6, v0;
	vm0 =	vgt.f32 v5, v2  }
0x125: {  	(xrf1) =	vsort.ascd.msk.f32 $0xffff, v7, v3;
	v3 =	vsel vm0, v2, v5;
	v2 =	vsel vm0, v5, v2  }
0x126: {  	v6 =	vsel vm0, v4, v1;
	v1 =	vsel vm0, v1, v4  }
0x127: {  	(xrf1) =	vsort.ascd.msk.f32 $0xffff, v3, v6  }
0x128: {  	(xrf1) =	vsort.ascd.msk.f32 $0xffff, v2, v1  }
0x129: {  	v1, v2, _ =	vpop (xrf1)  }
0x12a: {  	v3, v4, _ =	vpop (xrf1)  }
0x12b: {  	v1 =	vperm.xlane v1, v0;
	v3 =	vperm.xlane v3, v0;
	v5, v6, _ =	vpop (xrf1)  }
0x12c: {  	v2 =	vperm.xlane v2, v0;
	v7, v8, _ =	vpop (xrf1)  }
0x12d: {  	v4 =	vperm.xlane v4, v0;
	vm0 =	vlt.f32 v5, v1;
	vm1 =	vlt.f32 v7, v3  }
0x12e: {  	v9 =	vsel vm0, v5, v1;
	v10 =	vsel vm0, v6, v2;
	v1 =	vsel vm0, v1, v5  }
0x12f: {  	v2 =	vsel vm0, v2, v6;
	v11 =	vsel vm1, v3, v7;
	v3 =	vsel vm1, v7, v3  }
0x130: {  	v5 =	vsel vm1, v4, v8;
	vm2 =	vlt.f32 v11, v1;
	vm3 =	vlt.f32 v3, v9  }
0x131: {  	v4 =	vsel vm1, v8, v4;
	v6 =	vsel vm2, v1, v11;
	v7 =	vsel vm3, v3, v9  }
0x132: {  	v12, v13, _ =	vpop (xrf1);
	v1 =	vsel vm2, v11, v1;
	v3 =	vsel vm3, v9, v3;
	v11 =	vsel vm3, v10, v4  }
0x133: {  	v4 =	vsel vm3, v4, v10;
	v10 =	vperm.xlane v12, v0;
	v12 =	vsel vm2, v5, v2  }
0x134: {  	v2 =	vsel vm2, v2, v5;
	v8, v9, _ =	vpop (xrf1);
	(xrf1) =	vsort.ascd.msk.f32 $0xffff, v1, v12  }
0x135: {  	v8 =	vperm.xlane v8, v0;
	v5 =	vperm.xlane v9, v0;
	(xrf1) =	vsort.ascd.msk.f32 $0xffff, v3, v11;
	v1, v9, _ =	vpop (xrf1)  }
0x136: {  	v12 =	vperm.xlane v13, v0;
	(xrf1) =	vsort.ascd.msk.f32 $0xffff, v7, v4;
	v3, v11, _ =	vpop (xrf1)  }
0x137: {  	(xrf1) =	vsort.ascd.msk.f32 $0xffff, v6, v2;
	vm0 =	vgt.f32 v8, v1;
	vm1 =	vgt.f32 v10, v3  }
0x138: {  	v4 =	vsel vm0, v1, v8;
	v1 =	vsel vm0, v8, v1;
	v8 =	vsel vm0, v9, v5  }
0x139: {  	v5 =	vsel vm0, v5, v9;
	v7 =	vsel vm1, v11, v12;
	v9 =	vsel vm1, v10, v3  }
0x13a: {  	v11 =	vsel vm1, v12, v11;
	v2 =	vsel vm1, v3, v10;
	vm0 =	vgt.f32 v1, v9  }
0x13b: {  	vm1 =	vgt.f32 v4, v2;
	v3 =	vsel vm0, v11, v5;
	v6 =	vsel vm0, v9, v1  }
0x13c: {  	v5 =	vsel vm0, v5, v11;
	v1 =	vsel vm0, v1, v9;
	(xrf1) =	vsort.ascd.msk.f32 $0xffff, v6, v3  }
0x13d: {  	v3 =	vsel vm1, v4, v2;
	v6 =	vsel vm1, v8, v7;
	(xrf1) =	vsort.ascd.msk.f32 $0xffff, v1, v5  }
0x13e: {  	v1 =	vsel vm1, v2, v4;
	v2 =	vsel vm1, v7, v8;
	(xrf1) =	vsort.ascd.msk.f32 $0xffff, v3, v6  }
0x13f: {  	(xrf1) =	vsort.ascd.msk.f32 $0xffff, v1, v2;
	_ =	sdelay $0x6  }
0x140: {  	v1, v2, _ =	vpop (xrf1)  }
0x141: {  	v3, v4, _ =	vpop (xrf1);
	v9 =	vperm.xlane v1, v0  }
0x142: {  	v5 =	vperm.xlane v2, v0;
	v1, v8, _ =	vpop (xrf1);
	v3 =	vperm.xlane v3, v0  }
0x143: {  	v6 =	vperm.xlane v4, v0;
	v2, v10, _ =	vpop (xrf1);
	v4 =	vperm.xlane v1, v0  }
0x144: {  	v11, v7, _ =	vpop (xrf1)  }
0x145: {  	v12 =	vperm.xlane v8, v0;
	v18 =	vperm.xlane v10, v0;
	vm1 =	vgt.f32 v3, v11;
	v10, v16, _ =	vpop (xrf1)  }
0x146: {  	v19 =	vperm.xlane v2, v0;
	v1 =	vsel vm1, v3, v11;
	vm4 =	vgt.f32 v4, v10;
	v20, v17, _ =	vpop (xrf1)  }
0x147: {  	vm5 =	vgt.f32 v9, v20;
	v8 =	vsel vm4, v10, v4;
	v14 =	vsel vm4, v4, v10;
	v4, v63, _ =	vpop (xrf1)  }
0x148: {  	v2 =	vsel vm1, v6, v7;
	vm0 =	vgt.f32 v19, v4;
	v15 =	vsel vm5, v20, v9  }
0x149: {  	v13 =	vsel vm1, v11, v3;
	v10 =	vsel vm0, v4, v19;
	vm3 =	vgt.f32 v15, v8  }
0x14a: {  	v11 =	vsel vm0, v63, v18;
	v3 =	vsel vm0, v19, v4;
	v4 =	vsel vm0, v18, v63  }
0x14b: {  	v18 =	vsel vm5, v9, v20;
	v19 =	vsel vm5, v5, v17;
	vm2 =	vgt.f32 v10, v13  }
0x14c: {  	s16 =	simm.s32 $0x200;
	vm0 =	vgt.f32 v3, v1;
	vm6 =	vgt.f32 v18, v14;
	v9 =	vsel vm2, v10, v13  }
.LBB2_4:
0x14d: {  	p0 =	sne.s32 s16, $0x1FE00;
	v20 =	vsel vm4, v12, v16;
	v21 =	vsel vm0, v1, v3;
	v22 =	vsel vm6, v14, v18;
	s17 =	smov.u32 s16;
	s16 =	sadd.s32 $0x200, s16  }
0x14e: {  	v23 =	vsel vm0, v2, v4;
	v24 =	vsel vm6, v20, v19;
	vm7 =	vgt.f32 v21, v22  }
0x14f: {  	v25 =	vsel vm7, v22, v21;
	v21 =	vsel vm7, v21, v22;
	v22 =	vsel vm7, v23, v24  }
0x150: {  	v5 =	vsel vm5, v17, v5;
	v12 =	vsel vm4, v16, v12;
	(xrf1) =	vsort.ascd.msk.f32 $0xffff, v21, v22  }
0x151: {  	v6 =	vsel vm1, v7, v6;
	v7 =	vsel vm6, v19, v20;
	_ =	sdelay $0x8  }
0x152: {  	v16 =	vsel vm3, v12, v5;
	v5 =	vsel vm3, v5, v12;
	v12 =	vsel vm6, v18, v14  }
0x153: {  	v14 =	vsel vm3, v8, v15;
	v8 =	vsel vm3, v15, v8;
	v15 =	vsel vm7, v24, v23  }
0x154: {  	v18 =	vsel vm2, v11, v6;
	vm1 =	vgt.f32 v9, v8;
	(xrf1) =	vsort.ascd.msk.f32 $0xffff, v25, v15  }
0x155: {  	v10 =	vsel vm2, v13, v10;
	v13 =	vsel vm1, v5, v18;
	v5 =	vsel vm1, v18, v5  }
0x156: {  	v6 =	vsel vm2, v6, v11;
	vm2 =	vgt.f32 v10, v14;
	v11 =	vsel vm1, v9, v8;
	v15, v17, _ =	vpop (xrf1)  }
0x157: {  	v18 =	vsel vm2, v6, v16;
	v8 =	vsel vm1, v8, v9;
	[tilespmem:s15+$0x50] =	vst v15;
	(xrf1) =	vsort.ascd.msk.f32 $0xffff, v11, v5  }
0x158: {  	v6 =	vsel vm2, v16, v6;
	v5 =	vsel vm2, v14, v10;
	[tilespmem:s15+$0x8050] =	vst v17;
	(xrf1) =	vsort.ascd.msk.f32 $0xffff, v8, v13  }
0x159: {  	v1 =	vsel vm0, v3, v1;
	v8 =	vsel vm2, v10, v14;
	(xrf1) =	vsort.ascd.msk.f32 $0xffff, v5, v6  }
0x15a: {  	v2 =	vsel vm0, v4, v2;
	vm0 =	vgt.f32 v1, v12;
	(xrf1) =	vsort.ascd.msk.f32 $0xffff, v8, v18  }
0x15b: {  	v3 =	vsel vm0, v12, v1;
	v4 =	vsel vm0, v7, v2;
	v1 =	vsel vm0, v1, v12  }
0x15c: {  	v2 =	vsel vm0, v2, v7;
	(xrf1) =	vsort.ascd.msk.f32 $0xffff, v3, v4  }
0x15d: {  	(xrf1) =	vsort.ascd.msk.f32 $0xffff, v1, v2;
	_ =	sdelay $0x4  }
0x15e: {  	v1, v2, _ =	vpop (xrf1)  }
0x15f: {  	[tilespmem:s15+$0x40] =	vst v1  }
0x160: {  	[tilespmem:s15+$0x8040] =	vst v2  }
0x161: {  	v1, v2, _ =	vpop (xrf1)  }
0x162: {  	[tilespmem:s15+$0x30] =	vst v1;
	v1, v3, _ =	vpop (xrf1)  }
0x163: {  	[tilespmem:s15+$0x8030] =	vst v2;
	v2, v4, _ =	vpop (xrf1)  }
0x164: {  	[tilespmem:s15+$0x20] =	vst v1;
	v1, v5, _ =	vpop (xrf1)  }
0x165: {  	[tilespmem:s15+$0x8000] =	vst v4  }
0x166: {  	[tilespmem:s15+$0x8020] =	vst v3;
	v3, v4, _ =	vpop (xrf1)  }
0x167: {  	[tilespmem:s15+$0x8060] =	vst v4;
	v4, v6, _ =	vpop (xrf1)  }
0x168: {  	s17 =	sshra.s32 s17, $0x2;
	[tilespmem:s15+$0x10] =	vst v1  }
0x169: {  	v1 =	vld [tilespmem:s17+$0x20];
	[tilespmem:s15+$0x8010] =	vst v5  }
0x16a: {  	v5 =	vld [tilespmem:s17+$0x8020];
	[tilespmem:s15+$0x0] =	vst v2  }
0x16b: {  	v2 =	vld [tilespmem:s17+$0x0];
	[tilespmem:s15+$0x60] =	vst v3  }
0x16c: {  	v3 =	vld [tilespmem:s17+$0x30];
	[tilespmem:s15+$0x8070] =	vst v6  }
0x16d: {  	v6 =	vld [tilespmem:s17+$0x10];
	[tilespmem:s15+$0x70] =	vst v4;
	s15 =	smov.u32 s17  }
0x16e: {  	v4 =	vld [tilespmem:s15+$0x8030]  }
0x16f: {  	v7 =	vld [tilespmem:s15+$0x8010]  }
0x170: {  	v1 =	vsub.f32 $0.0e+00, v1;
	v2 =	vsub.f32 $0.0e+00, v2;
	v8 =	vld [tilespmem:s15+$0x8000]  }
0x171: {  	v3 =	vsub.f32 $0.0e+00, v3;
	v9 =	vld [tilespmem:s15+$0x40]  }
0x172: {  	v6 =	vsub.f32 $0.0e+00, v6;
	v10 =	vld [tilespmem:s15+$0x50];
	(xrf1) =	vsort.ascd.msk.f32 $0xffff, v1, v5  }
0x173: {  	v1 =	vld [tilespmem:s15+$0x70];
	(xrf1) =	vsort.ascd.msk.f32 $0xffff, v3, v4  }
0x174: {  	v3 =	vld [tilespmem:s15+$0x8050];
	(xrf1) =	vsort.ascd.msk.f32 $0xffff, v6, v7  }
0x175: {  	(xrf1) =	vsort.ascd.msk.f32 $0xffff, v2, v8  }
0x176: {  	v2 =	vsub.f32 $0.0e+00, v9;
	v4 =	vld [tilespmem:s15+$0x60]  }
0x177: {  	v5 =	vld [tilespmem:s15+$0x8040];
	v6 =	vsub.f32 $0.0e+00, v10  }
0x178: {  	v7 =	vld [tilespmem:s15+$0x8060];
	v1 =	vsub.f32 $0.0e+00, v1  }
0x179: {  	(xrf1) =	vsort.ascd.msk.f32 $0xffff, v6, v3;
	_ =	sdelay $0x1  }
0x17a: {  	v3 =	vsub.f32 $0.0e+00, v4;
	v4 =	vld [tilespmem:s15+$0x8070]  }
0x17b: {  	(xrf1) =	vsort.ascd.msk.f32 $0xffff, v2, v5  }
0x17c: {  	(xrf1) =	vsort.ascd.msk.f32 $0xffff, v3, v7;
	_ =	sdelay $0x2  }
0x17d: {  	v2, v3, _ =	vpop (xrf1);
	(xrf1) =	vsort.ascd.msk.f32 $0xffff, v1, v4  }
0x17e: {  	v1, v4, _ =	vpop (xrf1)  }
0x17f: {  	v1 =	vperm.xlane v1, v0;
	v5, v6, _ =	vpop (xrf1)  }
0x180: {  	v12 =	vperm.xlane v4, v0;
	v7, v8, _ =	vpop (xrf1)  }
0x181: {  	v7 =	vperm.xlane v7, v0;
	v8 =	vperm.xlane v8, v0;
	vm0 =	vlt.f32 v2, v1  }
0x182: {  	v9 =	vsel vm0, v12, v3;
	v10 =	vsel vm0, v2, v1;
	v3 =	vsel vm0, v3, v12  }
0x183: {  	v11 =	vsel vm0, v1, v2;
	vm1 =	vgt.f32 v7, v5;
	(xrf1) =	vsort.ascd.msk.f32 $0xffff, v10, v3  }
0x184: {  	v2 =	vsel vm1, v7, v5;
	v3 =	vsel vm1, v8, v6;
	(xrf1) =	vsort.ascd.msk.f32 $0xffff, v11, v9;
	v1, v4, _ =	vpop (xrf1)  }
0x185: {  	v5 =	vsel vm1, v5, v7;
	v7 =	vsel vm1, v6, v8;
	(xrf1) =	vsort.ascd.msk.f32 $0xffff, v2, v3  }
0x186: {  	v1 =	vperm.xlane v1, v0;
	(xrf1) =	vsort.ascd.msk.f32 $0xffff, v5, v7  }
0x187: {  	v2 =	vperm.xlane v4, v0;
	v3, v4, _ =	vpop (xrf1)  }
0x188: {  	vm0 =	vlt.f32 v3, v1;
	v5, v6, _ =	vpop (xrf1)  }
0x189: {  	v7 =	vsel vm0, v1, v3;
	v1 =	vsel vm0, v3, v1;
	v9 =	vsel vm0, v4, v2  }
0x18a: {  	v8 =	vsel vm0, v2, v4;
	v4 =	vperm.xlane v5, v0;
	(xrf1) =	vsort.ascd.msk.f32 $0xffff, v1, v9  }
0x18b: {  	v1 =	vperm.xlane v6, v0;
	(xrf1) =	vsort.ascd.msk.f32 $0xffff, v7, v8;
	v2, v3, _ =	vpop (xrf1)  }
0x18c: {  	vm0 =	vgt.f32 v4, v2  }
0x18d: {  	v5 =	vsel vm0, v2, v4;
	v6 =	vsel vm0, v3, v1;
	v2 =	vsel vm0, v4, v2  }
0x18e: {  	v1 =	vsel vm0, v1, v3;
	(xrf1) =	vsort.ascd.msk.f32 $0xffff, v5, v6  }
0x18f: {  	(xrf1) =	vsort.ascd.msk.f32 $0xffff, v2, v1;
	_ =	sdelay $0x1  }
0x190: {  	v1, v2, _ =	vpop (xrf1)  }
0x191: {  	v1 =	vperm.xlane v1, v0;
	v3, v4, _ =	vpop (xrf1)  }
0x192: {  	v2 =	vperm.xlane v2, v0;
	v3 =	vperm.xlane v3, v0;
	v5, v6, _ =	vpop (xrf1)  }
0x193: {  	v4 =	vperm.xlane v4, v0;
	vm0 =	vlt.f32 v5, v1;
	v7, v8, _ =	vpop (xrf1)  }
0x194: {  	vm1 =	vlt.f32 v7, v3;
	v9 =	vsel vm0, v5, v1;
	v10 =	vsel vm0, v6, v2  }
0x195: {  	v1 =	vsel vm0, v1, v5;
	v11 =	vsel vm1, v3, v7;
	v3 =	vsel vm1, v7, v3  }
0x196: {  	v5 =	vsel vm1, v4, v8;
	vm2 =	vlt.f32 v11, v1;
	vm3 =	vlt.f32 v3, v9  }
0x197: {  	v2 =	vsel vm0, v2, v6;
	v6 =	vsel vm2, v1, v11;
	v7 =	vsel vm3, v3, v9;
	v12, v13, _ =	vpop (xrf1)  }
0x198: {  	v4 =	vsel vm1, v8, v4;
	v1 =	vsel vm2, v11, v1;
	v3 =	vsel vm3, v9, v3;
	v8, v9, _ =	vpop (xrf1)  }
0x199: {  	v15 =	vsel vm3, v10, v4;
	v4 =	vsel vm3, v4, v10;
	v10 =	vperm.xlane v12, v0  }
0x19a: {  	v14 =	vsel vm2, v5, v2;
	v12 =	vsel vm2, v2, v5;
	v5 =	vperm.xlane v8, v0  }
0x19b: {  	v8 =	vperm.xlane v9, v0;
	v9 =	vperm.xlane v13, v0;
	(xrf1) =	vsort.ascd.msk.f32 $0xffff, v1, v14;
	v1, v2, _ =	vpop (xrf1)  }
0x19c: {  	vm0 =	vgt.f32 v5, v1;
	(xrf1) =	vsort.ascd.msk.f32 $0xffff, v3, v15;
	v3, v11, _ =	vpop (xrf1)  }
0x19d: {  	vm1 =	vgt.f32 v10, v3;
	(xrf1) =	vsort.ascd.msk.f32 $0xffff, v7, v4  }
0x19e: {  	v4 =	vsel vm0, v1, v5;
	v1 =	vsel vm0, v5, v1;
	v5 =	vsel vm1, v11, v9  }
0x19f: {  	v7 =	vsel vm0, v2, v8;
	v2 =	vsel vm0, v8, v2;
	v8 =	vsel vm1, v10, v3  }
0x1a0: {  	v9 =	vsel vm1, v9, v11;
	vm0 =	vgt.f32 v1, v8;
	(xrf1) =	vsort.ascd.msk.f32 $0xffff, v6, v12  }
0x1a1: {  	v3 =	vsel vm1, v3, v10;
	v6 =	vsel vm0, v9, v2;
	v2 =	vsel vm0, v2, v9  }
0x1a2: {  	vm1 =	vgt.f32 v4, v3;
	v9 =	vsel vm0, v8, v1;
	v1 =	vsel vm0, v1, v8  }
0x1a3: {  	v8 =	vsel vm1, v3, v4;
	v10 =	vsel vm1, v5, v7;
	(xrf1) =	vsort.ascd.msk.f32 $0xffff, v9, v6  }
0x1a4: {  	v3 =	vsel vm1, v4, v3;
	v4 =	vsel vm1, v7, v5;
	(xrf1) =	vsort.ascd.msk.f32 $0xffff, v1, v2  }
0x1a5: {  	(xrf1) =	vsort.ascd.msk.f32 $0xffff, v3, v4  }
0x1a6: {  	(xrf1) =	vsort.ascd.msk.f32 $0xffff, v8, v10;
	_ =	sdelay $0x2  }
0x1a7: {  	v1, v2, _ =	vpop (xrf1)  }
0x1a8: {  	v9 =	vperm.xlane v1, v0;
	v1, v3, _ =	vpop (xrf1)  }
0x1a9: {  	v5 =	vperm.xlane v2, v0;
	v4 =	vperm.xlane v1, v0;
	v1, v2, _ =	vpop (xrf1)  }
0x1aa: {  	v6 =	vperm.xlane v3, v0  }
0x1ab: {  	v3 =	vperm.xlane v1, v0  }
0x1ac: {  	v1, v8, _ =	vpop (xrf1);
	_ =	sdelay $0x1  }
0x1ad: {  	v12 =	vperm.xlane v2, v0  }
0x1ae: {  	v11, v7, _ =	vpop (xrf1)  }
0x1af: {  	v18 =	vperm.xlane v8, v0;
	vm1 =	vgt.f32 v4, v11;
	v2, v16, _ =	vpop (xrf1)  }
0x1b0: {  	v19 =	vperm.xlane v1, v0;
	v1 =	vsel vm1, v4, v11;
	vm4 =	vgt.f32 v3, v2;
	v20, v17, _ =	vpop (xrf1)  }
0x1b1: {  	vm5 =	vgt.f32 v9, v20;
	v8 =	vsel vm4, v2, v3;
	v14 =	vsel vm4, v3, v2;
	v3, v21, _ =	vpop (xrf1)  }
.Ltmp1:
0x1b2: {  	v2 =	vsel vm1, v6, v7;
	vm0 =	vgt.f32 v19, v3;
	v15 =	vsel vm5, v20, v9;
	(pc) =	sbr.rel @p0 .LBB2_4-.Ltmp1, $4  }
0x1b3: {  	v13 =	vsel vm1, v11, v4;
	v10 =	vsel vm0, v3, v19;
	vm3 =	vgt.f32 v15, v8  }
0x1b4: {  	v11 =	vsel vm0, v21, v18;
	v3 =	vsel vm0, v19, v3;
	vm2 =	vgt.f32 v10, v13  }
0x1b5: {  	v4 =	vsel vm0, v18, v21;
	v18 =	vsel vm5, v9, v20;
	v9 =	vsel vm2, v10, v13  }
0x1b6: {  	v19 =	vsel vm5, v5, v17;
	vm0 =	vgt.f32 v3, v1;
	vm6 =	vgt.f32 v18, v14  }
0x1b7: {  	v20 =	vsel vm0, v1, v3;
	v21 =	vsel vm6, v14, v18  }
0x1b8: {  	v22 =	vsel vm4, v12, v16;
	v23 =	vsel vm0, v2, v4;
	v5 =	vsel vm5, v17, v5  }
0x1b9: {  	v50 =	vsel vm4, v16, v12;
	vm7 =	vgt.f32 v20, v21;
	v24 =	vsel vm6, v22, v19  }
0x1ba: {  	v25 =	vsel vm7, v21, v20;
	v20 =	vsel vm7, v20, v21;
	v49 =	vsel vm7, v23, v24  }
0x1bb: {  	v6 =	vsel vm1, v7, v6;
	v54 =	vsel vm3, v15, v8;
	(xrf1) =	vsort.ascd.msk.f32 $0xffff, v20, v49  }
0x1bc: {  	v16 =	vsel vm3, v50, v5;
	v5 =	vsel vm3, v5, v50;
	v55 =	vsel vm7, v24, v23  }
0x1bd: {  	v56 =	vsel vm2, v11, v6;
	vm13 =	vgt.f32 v9, v54;
	(xrf1) =	vsort.ascd.msk.f32 $0xffff, v25, v55  }
0x1be: {  	v57 =	vsel vm13, v56, v5;
	v58 =	vsel vm13, v9, v54  }
0x1bf: {  	v52 =	vsel vm6, v18, v14;
	v53 =	vsel vm3, v8, v15;
	(xrf1) =	vsort.ascd.msk.f32 $0xffff, v58, v57  }
0x1c0: {  	v10 =	vsel vm2, v13, v10;
	v5 =	vsel vm13, v5, v56;
	v8 =	vsel vm13, v54, v9  }
0x1c1: {  	v6 =	vsel vm2, v6, v11;
	vm14 =	vgt.f32 v10, v53;
	(xrf1) =	vsort.ascd.msk.f32 $0xffff, v8, v5  }
0x1c2: {  	v59 =	vsel vm14, v6, v16;
	v60 =	vsel vm14, v53, v10;
	v6 =	vsel vm14, v16, v6  }
0x1c3: {  	v1 =	vsel vm0, v3, v1;
	v2 =	vsel vm0, v4, v2;
	(xrf1) =	vsort.ascd.msk.f32 $0xffff, v60, v6  }
0x1c4: {  	v51 =	vsel vm6, v19, v22;
	vm15 =	vgt.f32 v1, v52;
	v61 =	vsel vm14, v10, v53  }
0x1c5: {  	v4 =	vsel vm15, v51, v2;
	(xrf1) =	vsort.ascd.msk.f32 $0xffff, v61, v59  }
0x1c6: {  	v3 =	vsel vm15, v52, v1  }
0x1c7: {  	v2 =	vsel vm15, v2, v51;
	(xrf1) =	vsort.ascd.msk.f32 $0xffff, v3, v4  }
0x1c8: {  	v1 =	vsel vm15, v1, v52  }
0x1c9: {  	v3, v4, _ =	vpop (xrf1);
	(xrf1) =	vsort.ascd.msk.f32 $0xffff, v1, v2  }
0x1ca: {  	[tilespmem:s15+$0x50] =	vst v3  }
0x1cb: {  	[tilespmem:s15+$0x8050] =	vst v4;
	v1, v2, _ =	vpop (xrf1)  }
0x1cc: {  	[tilespmem:s15+$0x40] =	vst v1  }
0x1cd: {  	[tilespmem:s15+$0x8040] =	vst v2;
	v1, v2, _ =	vpop (xrf1)  }
0x1ce: {  	[tilespmem:s15+$0x30] =	vst v1  }
0x1cf: {  	v1, v3, _ =	vpop (xrf1);
	[tilespmem:s15+$0x8030] =	vst v2  }
0x1d0: {  	[tilespmem:s15+$0x20] =	vst v1  }
0x1d1: {  	v2, v62, _ =	vpop (xrf1);
	[tilespmem:s15+$0x8020] =	vst v3  }
0x1d2: {  	[tilespmem:s15+$0x8000] =	vst v62  }
0x1d3: {  	v1, v5, _ =	vpop (xrf1);
	[tilespmem:s15+$0x0] =	vst v2  }
0x1d4: {  	[tilespmem:s15+$0x10] =	vst v1  }
0x1d5: {  	v3, v63, _ =	vpop (xrf1);
	[tilespmem:s15+$0x8010] =	vst v5  }
0x1d6: {  	[tilespmem:s15+$0x8060] =	vst v63  }
0x1d7: {  	[tilespmem:s15+$0x60] =	vst v3;
	v1, v2, _ =	vpop (xrf1)  }
0x1d8: {  	[tilespmem:s15+$0x8070] =	vst v2  }
0x1d9: {  	[tilespmem:s15+$0x70] =	vst v1  }
0x1da: {  	[hbm4b:s9+s1] =	stream.linear.scatter [tilespmem:s1], [sflag:$0x1], $0x8000, $0x38;
	[tilespmem:$0x10000] =	vst v63  }
0x1db: {  	s14 =	sadd.s32 $0x1, s14;
	_ =	swait.ge [sflag:s12], $0x8000  }
0x1dc: {  	p0 =	sne.s32 s14, s11;
	[sflag:s12] =	ssyncset.done $0x0  }
.Ltmp2:
0x1dd: {  	[sflag:s12] =	ssyncadd.s32 $0xFFFF8000;
	(pc) =	sbr.rel @p0 .LBB2_1-.Ltmp2, $4  }
0x1de: {  	[hbm4b:s10+s1] =	stream.linear.scatter [tilespmem:s13], [sflag:$0x1], $0x8000, $0x38;
	[tilespmem:$0x10000] =	vst v63  }
0x1df: {  	_ =	swait.ge [sflag:s12], $0x8000  }
0x1e0: {  	[sflag:s12] =	ssyncset.done $0x0  }
0x1e1: {  	[sflag:s12] =	ssyncadd.s32 $0xFFFF8000  }
0x1e2: {  	_ =	sfence.sel $0x180000  }
0x1e3: {  	[bflag:$0x0] =	sbarrier.arrive $0xFFFF  }
0x1e4: {  	p0 =	sne.s32 s2, $0x0;
	_ =	strace $0x90000047  }
0x1e5: {  	s0 =	sadd.s32 @!p0 $0x100000, s0;
	[bflag:$0x2] =	sbarrier.arrive $0xFFFF  }
0x1e6: {  	[sflag:s0] =	ssyncadd.tile.s32 @!p0 $0x1;
	_ =	shalt  }
.Lfunc_end2:
_tile_overlayer_lowered:
.L_overlay_start_2:
0x1e7: {  	(tag) =	ssettag $0x2  }
0x1e8: {  	s0 =	rddreg [dreg:$0x0];
	s2 =	stileid.u32  }
0x1e9: {  	s1 =	rddreg [dreg:$0x1];
	p0 =	sne.s32 s2, $0x0  }
0x1ea: {  	s3 =	rddreg [dreg:$0x2];
	[bflag:$0x3] =	sbarrier.arrive $0xFFFF;
	s2 =	simm.s32 @!p0 $0x1C01  }
0x1eb: {  	[timem:s3], [sflag:s2] =	dma.local @!p0 [hbm:s0], s1  }
0x1ec: {  	s0 =	simm.s32 @!p0 $0x1  }
0x1ed: {  	_ =	swait.ge @!p0 [sflag:s0], s1  }
0x1ee: {  	s1 =	ssub.s32 @!p0 $0x0, s1;
	[sflag:s0] =	ssyncset.done @!p0 $0x0  }
0x1ef: {  	[sflag:s0] =	ssyncadd.s32 @!p0 s1  }
0x1f0: {  	[bflag:$0x3] =	sbarrier.arrive $0xFFFF  }
0x1f1: {  	_ =	shalt  }

</sc_bundles>
